<compile_context>
chip_gen: v7x
topology: tpu7x:2x2x1
jax: 0.10.2.dev20260603
libtpu: 0.0.44.dev20260713+nightly
codegen_flags: <defaults>
</compile_context>

<pallas_src>
import jax
import jax.numpy as jnp
from jax import lax
from jax.experimental import pallas as pl
from jax.experimental.pallas import tpu as pltpu
from jax.experimental.pallas import tpu_sc as plsc

N = 10000
D = 128
H = 64
A = 7
E = 320000

NC = 2
NS = 16
NW = NC * NS
CH = 125
CPS = 20

DNCH = 80
NPAD = 10240
DEG_PT = NPAD // NS

ANCH = 160
ROWS_PT = N // NS

_MESH = dict(core_axis_name="c", subcore_axis_name="s", num_cores=NC,
             num_subcores=NS)
_SC_PARAMS = pltpu.CompilerParams(use_tc_tiling_on_sc=False)



def _deg_body(col_hbm, out_hbm, col_slab, ones_v, zbuf, deg_acc):
    cc = lax.axis_index("c")
    sid = lax.axis_index("s")
    wid = cc * NS + sid

    @pl.loop(0, 8)
    def _(i):
        ones_v[pl.ds(i * 16, 16)] = jnp.ones((16,), jnp.float32)

    @pl.loop(0, DEG_PT // 16)
    def _(i):
        zbuf[pl.ds(i * 16, 16)] = jnp.zeros((16,), jnp.float32)

    pltpu.sync_copy(zbuf, deg_acc.at[pl.ds(sid * DEG_PT, DEG_PT)])
    pltpu.sync_copy(col_hbm.at[wid], col_slab)
    plsc.subcore_barrier()

    @pl.loop(0, DNCH)
    def _(j):
        pltpu.sync_copy(ones_v.at[pl.ds(0, CH)],
                        deg_acc.at[col_slab.at[j]], add=True)

    plsc.subcore_barrier()
    pltpu.sync_copy(deg_acc.at[pl.ds(sid * DEG_PT, DEG_PT)],
                    out_hbm.at[cc, pl.ds(sid * DEG_PT, DEG_PT)])


def _deg_call(col3):
    return pl.kernel(
        _deg_body,
        out_type=jax.ShapeDtypeStruct((NC, NPAD), jnp.float32),
        mesh=plsc.VectorSubcoreMesh(**_MESH),
        compiler_params=_SC_PARAMS,
        scratch_types=[
            pltpu.VMEM((DNCH, CH), jnp.int32),
            pltpu.VMEM((128,), jnp.float32),
            pltpu.VMEM((DEG_PT,), jnp.float32),
            pltpu.VMEM_SHARED((NPAD,), jnp.float32),
        ],
    )(col3)



def _mm_kernel(x_ref, w_ref, dinv_ref, hs_ref):
    h = jnp.dot(x_ref[...], w_ref[...], preferred_element_type=jnp.float32)
    hs = h * dinv_ref[...]
    hs_ref[0] = hs[:, :D]
    hs_ref[1] = hs[:, D:]


def _mm_call(x, Wcat, dinv):
    return pl.pallas_call(
        _mm_kernel,
        out_shape=jax.ShapeDtypeStruct((2, N, D), jnp.float32),
    )(x, Wcat, dinv)



def _agg_body(hs_hbm, row_hbm, col_hbm, out_hbm, row_slab, col_slab, gbuf,
              t_acc, sem0, sem1):
    cc = lax.axis_index("c")
    sid = lax.axis_index("s")
    sems = (sem0, sem1)
    g0 = gbuf.at[0]
    src = hs_hbm.at[cc]

    @pl.loop(0, CH)
    def _(r):
        @pl.loop(0, D // 16)
        def _(q):
            g0[r, pl.ds(q * 16, 16)] = jnp.zeros((16,), jnp.float32)

    @pl.loop(0, ROWS_PT // CH)
    def _(k):
        pltpu.sync_copy(g0, t_acc.at[pl.ds(sid * ROWS_PT + k * CH, CH)])

    plsc.subcore_barrier()

    @pl.loop(0, ANCH // CPS)
    def _(s):
        pltpu.sync_copy(row_hbm.at[sid, pl.ds(s * CPS, CPS)], row_slab)
        pltpu.sync_copy(col_hbm.at[sid, pl.ds(s * CPS, CPS)], col_slab)
        for b in range(2):
            pltpu.async_copy(src.at[row_slab.at[b]], gbuf.at[b], sems[b])

        @pl.loop(0, CPS // 2)
        def _(i):
            for b in range(2):
                j = 2 * i + b
                pltpu.make_async_copy(src.at[row_slab.at[j]], gbuf.at[b],
                                      sems[b]).wait()
                pltpu.sync_copy(gbuf.at[b], t_acc.at[col_slab.at[j]], add=True)

                @pl.when(j + 2 < CPS)
                def _():
                    pltpu.async_copy(src.at[row_slab.at[j + 2]],
                                     gbuf.at[b], sems[b])

    plsc.subcore_barrier()

    @pl.loop(0, ROWS_PT // CH)
    def _(k):
        off = sid * ROWS_PT + k * CH
        pltpu.sync_copy(t_acc.at[pl.ds(off, CH)], g0)
        pltpu.sync_copy(g0, out_hbm.at[cc, pl.ds(off, CH)])


def _agg_call(hs, row3, col3):
    return pl.kernel(
        _agg_body,
        out_type=jax.ShapeDtypeStruct((NC, N, D), jnp.float32),
        mesh=plsc.VectorSubcoreMesh(**_MESH),
        compiler_params=_SC_PARAMS,
        scratch_types=[
            pltpu.VMEM((CPS, CH), jnp.int32),
            pltpu.VMEM((CPS, CH), jnp.int32),
            pltpu.VMEM((2, CH, D), jnp.float32),
            pltpu.VMEM_SHARED((N, D), jnp.float32),
            pltpu.SemaphoreType.DMA,
            pltpu.SemaphoreType.DMA,
        ],
    )(hs, row3, col3)



def _tail_kernel(Ta_ref, Tc_ref, hsa_ref, hsc_ref, dinv_ref, bcat_ref,
                 med_ref, zc_scratch):
    za = (Ta_ref[...] + hsa_ref[...]) * dinv_ref[...]
    zcr = (Tc_ref[...] + hsc_ref[...]) * dinv_ref[...]
    zc = jnp.concatenate([za, zcr], axis=1) + bcat_ref[...]
    b = jax.lax.bitcast_convert_type(zc, jnp.int32)
    neg_mask = b >> 31
    ub = jax.lax.bitcast_convert_type(b, jnp.uint32)
    xor_val = jax.lax.bitcast_convert_type(neg_mask, jnp.uint32) | jnp.uint32(0x80000000)
    zc_scratch[...] = ub ^ xor_val
    zcu = zc_scratch[...]

    def body(i, carry):
        loA, hiA = carry
        midA = loA + (hiA - loA) // jnp.uint32(2)
        cA = jnp.sum((zcu <= midA).astype(jnp.int32), axis=0, keepdims=True)
        geA = cA >= 5000
        hiA = jnp.where(geA, midA, hiA)
        loA = jnp.where(geA, loA, midA + jnp.uint32(1))
        return loA, hiA

    lo0 = jnp.zeros((1, 2 * D), dtype=jnp.uint32)
    hi0 = jnp.full((1, 2 * D), 0xFFFFFFFF, dtype=jnp.uint32)
    loA, _ = lax.fori_loop(0, 32, body, (lo0, hi0))

    cnt = jnp.sum((zcu <= loA).astype(jnp.int32), axis=0, keepdims=True)
    zcs = jax.lax.bitcast_convert_type(zcu ^ jnp.uint32(0x80000000), jnp.int32)
    loS = jax.lax.bitcast_convert_type(loA ^ jnp.uint32(0x80000000), jnp.int32)
    big = jnp.int32(0x7FFFFFFF)
    above = jnp.where(zcs > loS, zcs, big)
    minS = jnp.min(above, axis=0, keepdims=True)
    minU = jax.lax.bitcast_convert_type(minS, jnp.uint32) ^ jnp.uint32(0x80000000)
    loB = jnp.where(cnt >= 5001, loA, minU)

    def u2f(u):
        is_pos = u >= jnp.uint32(0x80000000)
        ub2 = jnp.where(is_pos, u ^ jnp.uint32(0x80000000), ~u)
        return jax.lax.bitcast_convert_type(ub2, jnp.float32)

    med_ref[...] = 0.5 * (u2f(loA) + u2f(loB))


def _tail(Ta, Tc, hsa, hsc, dinv, bcat):
    return pl.pallas_call(
        _tail_kernel,
        out_shape=jax.ShapeDtypeStruct((1, 2 * D), jnp.float32),
        scratch_shapes=[pltpu.VMEM((N, 2 * D), jnp.uint32)],
    )(Ta, Tc, hsa, hsc, dinv, bcat)


def kernel(x, edge_index, action, aconv_W, aconv_b, a_W1, a_b1, a_W2, a_b2,
           a_W3, a_b3, cconv_W, cconv_b, c_W1, c_b1, c_W2, c_b2, c_W3, c_b3,
           actor_logstd):
    col3d = edge_index[1].reshape(NW, DNCH, CH)
    row3a = edge_index[0].reshape(NS, ANCH, CH)
    col3a = edge_index[1].reshape(NS, ANCH, CH)

    degp = _deg_call(col3d)
    deg = degp[0, :N] + degp[1, :N] + 1.0
    dinv = lax.rsqrt(deg).reshape(N, 1)

    Wcat = jnp.concatenate([aconv_W, cconv_W], axis=1)
    bcat = jnp.concatenate([aconv_b, cconv_b], axis=0).reshape(1, 2 * D)

    hs = _mm_call(x, Wcat, dinv)
    Tp = _agg_call(hs, row3a, col3a)

    med = _tail(Tp[0], Tp[1], hs[0], hs[1], dinv, bcat)
    ma = med[:, :D]
    mc = med[:, D:]
    t = jnp.tanh(ma @ a_W1 + a_b1)
    t = jnp.tanh(t @ a_W2 + a_b2)
    action_mean = t @ a_W3 + a_b3
    action_logstd = jnp.broadcast_to(actor_logstd, action_mean.shape)
    action_std = jnp.exp(action_logstd)
    log_prob = (-((action - action_mean) ** 2) / (2.0 * action_std ** 2)
                - action_logstd - 0.5 * jnp.log(2.0 * jnp.pi)).sum(axis=1)
    entropy = (0.5 + 0.5 * jnp.log(2.0 * jnp.pi) + action_logstd).sum(axis=1)
    tc = jnp.tanh(mc @ c_W1 + c_b1)
    tc = jnp.tanh(tc @ c_W2 + c_b2)
    value = tc @ c_W3 + c_b3
    return (action, log_prob, entropy, value)

# --- scband reference (transcript-rebuilt; emitter-appended) ---
"""Pipeline reference for scband-agent-c-64768106824367 (READ-ONLY COPY).

The authoritative reference and input builder live on the scoring server;
editing this copy changes nothing except your own understanding.
"""

import jax, jax.numpy as jnp
import numpy as np

N = 10000
D = 128
H = 64
A = 7
E = 320000


def setup_inputs(seed: int = 0) -> dict:
    key = jax.random.key(seed)
    ks = jax.random.split(key, 24)
    inp = {}
    inp["x"] = jax.random.normal(ks[0], (N, D), dtype=jnp.float32)
    inp["edge_index"] = jax.random.randint(ks[1], (2, E), 0, N, dtype=jnp.int32)
    inp["action"] = jax.random.normal(ks[2], (1, A), dtype=jnp.float32)
    # GCNConv weights (actor branch)
    inp["aconv_W"] = jax.random.normal(ks[3], (D, D), dtype=jnp.float32) * (1.0 / np.sqrt(D))
    inp["aconv_b"] = jnp.zeros((D,), dtype=jnp.float32)
    # actor MLP
    inp["a_W1"] = jax.random.normal(ks[4], (D, H), dtype=jnp.float32) * (np.sqrt(2) / np.sqrt(D))
    inp["a_b1"] = jnp.zeros((H,), dtype=jnp.float32)
    inp["a_W2"] = jax.random.normal(ks[5], (H, H), dtype=jnp.float32) * (np.sqrt(2) / np.sqrt(H))
    inp["a_b2"] = jnp.zeros((H,), dtype=jnp.float32)
    inp["a_W3"] = jax.random.normal(ks[6], (H, A), dtype=jnp.float32) * (np.sqrt(2) / np.sqrt(H))
    inp["a_b3"] = jnp.zeros((A,), dtype=jnp.float32)
    # GCNConv weights (critic branch)
    inp["cconv_W"] = jax.random.normal(ks[7], (D, D), dtype=jnp.float32) * (1.0 / np.sqrt(D))
    inp["cconv_b"] = jnp.zeros((D,), dtype=jnp.float32)
    # critic MLP
    inp["c_W1"] = jax.random.normal(ks[8], (D, H), dtype=jnp.float32) * (np.sqrt(2) / np.sqrt(D))
    inp["c_b1"] = jnp.zeros((H,), dtype=jnp.float32)
    inp["c_W2"] = jax.random.normal(ks[9], (H, H), dtype=jnp.float32) * (np.sqrt(2) / np.sqrt(H))
    inp["c_b2"] = jnp.zeros((H,), dtype=jnp.float32)
    inp["c_W3"] = jax.random.normal(ks[10], (H, 1), dtype=jnp.float32) * (1.0 / np.sqrt(H))
    inp["c_b3"] = jnp.zeros((1,), dtype=jnp.float32)
    inp["actor_logstd"] = jnp.zeros((1, A), dtype=jnp.float32)
    return inp


def _gcn(x, edge_index, W, b):
    n = x.shape[0]
    sl = jnp.arange(n, dtype=edge_index.dtype)
    row = jnp.concatenate([edge_index[0], sl])
    col = jnp.concatenate([edge_index[1], sl])
    deg = jnp.zeros((n,), dtype=x.dtype).at[col].add(1.0)
    dinv = jax.lax.rsqrt(jnp.clip(deg, 1.0))
    norm = dinv[row] * dinv[col]
    h = x @ W
    msg = jnp.take(h, row, axis=0) * norm[:, None]
    out = jnp.zeros_like(h).at[col].add(msg)
    return out + b


def reference(x, edge_index, action, aconv_W, aconv_b, a_W1, a_b1, a_W2, a_b2, a_W3, a_b3, cconv_W, cconv_b, c_W1, c_b1, c_W2, c_b2, c_W3, c_b3, actor_logstd):
    # actor branch: GCNConv -> MedianAggregation (global) -> tanh MLP
    ha = _gcn(x, edge_index, aconv_W, aconv_b)
    ma = jnp.median(ha, axis=0, keepdims=True)  # [1, D]
    t = jnp.tanh(ma @ a_W1 + a_b1)
    t = jnp.tanh(t @ a_W2 + a_b2)
    action_mean = t @ a_W3 + a_b3  # [1, A]
    action_logstd = jnp.broadcast_to(actor_logstd, action_mean.shape)
    action_std = jnp.exp(action_logstd)
    log_prob = (-((action - action_mean) ** 2) / (2.0 * action_std ** 2)
                - action_logstd - 0.5 * jnp.log(2.0 * jnp.pi)).sum(axis=1)
    entropy = (0.5 + 0.5 * jnp.log(2.0 * jnp.pi) + action_logstd).sum(axis=1)
    # critic branch
    hc = _gcn(x, edge_index, cconv_W, cconv_b)
    mc = jnp.median(hc, axis=0, keepdims=True)
    tc = jnp.tanh(mc @ c_W1 + c_b1)
    tc = jnp.tanh(tc @ c_W2 + c_b2)
    value = tc @ c_W3 + c_b3  # [1, 1]
    return (action, log_prob, entropy, value)

if __name__ == "__main__":
    import jax
    _d = setup_inputs()
    print(jax.jit(kernel)(*tuple(_d.values())))

</pallas_src>

<mosaic_0001>
#map = affine_map<(d0, d1) -> (0, 0, 0)>
#map1 = affine_map<(d0, d1) -> (0, 0)>
module attributes {stable_mosaic.version = 14 : i64} {
  func.func @_deg_body(%arg0: i32, %arg1: i32, %arg2: memref<32x80x125xi32, #tpu.memory_space<hbm>>, %arg3: memref<2x10240xf32, #tpu.memory_space<hbm>>, %arg4: memref<80x125xi32, #tpu.memory_space<vmem>>, %arg5: memref<128xf32, #tpu.memory_space<vmem>>, %arg6: memref<640xf32, #tpu.memory_space<vmem>>, %arg7: memref<10240xf32, #tpu.memory_space<vmem_shared>>) attributes {dimension_semantics = [#tpu.dimension_semantics<core_parallel>, #tpu.dimension_semantics<subcore_parallel>], iteration_bounds = array<i64: 2, 16>, scalar_prefetch = 0 : i64, scratch_operands = 4 : i64, tpu.core_type = #tpu.core_type<sc_vector_subcore>, window_params = [{transform_indices = #map}, {transform_indices = #map1}]} {
    %mul3A = arith.constant 16 : i32
    %mul3A_0 = arith.muli %arg0, %mul3A : i32
    %add3A = arith.addi %mul3A_0, %arg1 : i32
    %scan3A = arith.constant 0 : i32
    %scan3A_1 = arith.constant 8 : i32
    %scan3A_2 = arith.addi %scan3A, %scan3A_1 : i32
    %scan3A_3 = arith.constant 1 : i32
    scf.for %scan3A_22 = %scan3A to %scan3A_2 step %scan3A_3  : i32 {
      %mul3A_23 = arith.constant 1 : i32
      %mul3A_24 = arith.muli %scan3A_22, %mul3A_23 : i32
      %add3A_25 = arith.constant 0 : i32
      %add3A_26 = arith.addi %add3A_25, %mul3A_24 : i32
      %broadcast_in_dim3A = arith.constant 1.000000e+00 : f32
      %broadcast_in_dim3A_27 = vector.broadcast %broadcast_in_dim3A : f32 to vector<16xf32>
      %mul3A_28 = arith.constant 16 : i32
      %mul3A_29 = arith.muli %add3A_26, %mul3A_28 : i32
      %swap3A = arith.index_cast %mul3A_29 : i32 to index
      %swap3A_30 = tpu.vector_load %arg5[%swap3A] {strides = array<i32>} : memref<128xf32, #tpu.memory_space<vmem>>, vector<16xf32>,
      %swap3A_31 = vector.shape_cast %swap3A_30 : vector<16xf32> to vector<16xf32>
      %swap3A_32 = vector.shape_cast %broadcast_in_dim3A_27 : vector<16xf32> to vector<16xf32>
      tpu.vector_store %arg5[%swap3A], %swap3A_32 {strides = array<i32>} : memref<128xf32, #tpu.memory_space<vmem>>, vector<16xf32>,
    }
    %scan3A_4 = arith.constant 8 : i32
    %scan3A_5 = arith.constant 0 : i32
    %scan3A_6 = arith.constant 40 : i32
    %scan3A_7 = arith.addi %scan3A_5, %scan3A_6 : i32
    %scan3A_8 = arith.constant 1 : i32
    scf.for %scan3A_22 = %scan3A_5 to %scan3A_7 step %scan3A_8  : i32 {
      %mul3A_23 = arith.constant 1 : i32
      %mul3A_24 = arith.muli %scan3A_22, %mul3A_23 : i32
      %add3A_25 = arith.constant 0 : i32
      %add3A_26 = arith.addi %add3A_25, %mul3A_24 : i32
      %broadcast_in_dim3A = arith.constant 0.000000e+00 : f32
      %broadcast_in_dim3A_27 = vector.broadcast %broadcast_in_dim3A : f32 to vector<16xf32>
      %mul3A_28 = arith.constant 16 : i32
      %mul3A_29 = arith.muli %add3A_26, %mul3A_28 : i32
      %swap3A = arith.index_cast %mul3A_29 : i32 to index
      %swap3A_30 = tpu.vector_load %arg6[%swap3A] {strides = array<i32>} : memref<640xf32, #tpu.memory_space<vmem>>, vector<16xf32>,
      %swap3A_31 = vector.shape_cast %swap3A_30 : vector<16xf32> to vector<16xf32>
      %swap3A_32 = vector.shape_cast %broadcast_in_dim3A_27 : vector<16xf32> to vector<16xf32>
      tpu.vector_store %arg6[%swap3A], %swap3A_32 {strides = array<i32>} : memref<640xf32, #tpu.memory_space<vmem>>, vector<16xf32>,
    }
    %scan3A_9 = arith.constant 40 : i32
    %mul3A_10 = arith.constant 640 : i32
    %mul3A_11 = arith.muli %arg1, %mul3A_10 : i32
    "tpu.region"() ({
      %run_scoped3A = tpu.sem_alloc : memref<!tpu.dma_semaphore, #tpu.memory_space<semaphore_mem>>
      %dma_start3A = tpu.memref_slice %arg7[%mul3A_11] : memref<10240xf32, #tpu.memory_space<vmem_shared>> -> memref<640xf32, #tpu.memory_space<vmem_shared>>
      %dma_start3A_22 = tpu.memref_slice %arg7[%mul3A_11] : memref<10240xf32, #tpu.memory_space<vmem_shared>> -> memref<640xf32, #tpu.memory_space<vmem_shared>>
      tpu.enqueue_dma source(%arg6 : memref<640xf32, #tpu.memory_space<vmem>>) target(%dma_start3A_22 : memref<640xf32, #tpu.memory_space<vmem_shared>>) target_semaphore(%run_scoped3A : memref<!tpu.dma_semaphore, #tpu.memory_space<semaphore_mem>>)
      %dma_wait3A = tpu.memref_slice %arg7[%mul3A_11] : memref<10240xf32, #tpu.memory_space<vmem_shared>> -> memref<640xf32, #tpu.memory_space<vmem_shared>>
      %dma_wait3A_23 = tpu.memref_slice %arg7[%mul3A_11] : memref<10240xf32, #tpu.memory_space<vmem_shared>> -> memref<640xf32, #tpu.memory_space<vmem_shared>>
      tpu.wait_dma2 semaphore(%run_scoped3A : memref<!tpu.dma_semaphore, #tpu.memory_space<semaphore_mem>>) src(%arg6 : memref<640xf32, #tpu.memory_space<vmem>>) dst(%dma_wait3A_23 : memref<640xf32, #tpu.memory_space<vmem_shared>>)
      tpu.yield
    }) : () -> ()
    "tpu.region"() ({
      %run_scoped3A = tpu.sem_alloc : memref<!tpu.dma_semaphore, #tpu.memory_space<semaphore_mem>>
      %dma_start3A = arith.constant 0 : i32
      %dma_start3A_22 = arith.constant 0 : i32
      %dma_start3A_23 = tpu.memref_slice %arg2[%add3A, %dma_start3A, %dma_start3A_22] : memref<32x80x125xi32, #tpu.memory_space<hbm>> -> memref<1x80x125xi32, #tpu.memory_space<hbm>>
      %dma_start3A_24 = tpu.memref_squeeze %dma_start3A_23 : memref<1x80x125xi32, #tpu.memory_space<hbm>> -> memref<80x125xi32, #tpu.memory_space<hbm>>
      %dma_start3A_25 = arith.constant 0 : i32
      %dma_start3A_26 = arith.constant 0 : i32
      %dma_start3A_27 = tpu.memref_slice %arg2[%add3A, %dma_start3A_25, %dma_start3A_26] : memref<32x80x125xi32, #tpu.memory_space<hbm>> -> memref<1x80x125xi32, #tpu.memory_space<hbm>>
      %dma_start3A_28 = tpu.memref_squeeze %dma_start3A_27 : memref<1x80x125xi32, #tpu.memory_space<hbm>> -> memref<80x125xi32, #tpu.memory_space<hbm>>
      tpu.enqueue_dma source(%dma_start3A_28 : memref<80x125xi32, #tpu.memory_space<hbm>>) target(%arg4 : memref<80x125xi32, #tpu.memory_space<vmem>>) target_semaphore(%run_scoped3A : memref<!tpu.dma_semaphore, #tpu.memory_space<semaphore_mem>>)
      %dma_wait3A = arith.constant 0 : i32
      %dma_wait3A_29 = arith.constant 0 : i32
      %dma_wait3A_30 = tpu.memref_slice %arg2[%add3A, %dma_wait3A, %dma_wait3A_29] : memref<32x80x125xi32, #tpu.memory_space<hbm>> -> memref<1x80x125xi32, #tpu.memory_space<hbm>>
      %dma_wait3A_31 = tpu.memref_squeeze %dma_wait3A_30 : memref<1x80x125xi32, #tpu.memory_space<hbm>> -> memref<80x125xi32, #tpu.memory_space<hbm>>
      %dma_wait3A_32 = arith.constant 0 : i32
      %dma_wait3A_33 = arith.constant 0 : i32
      %dma_wait3A_34 = tpu.memref_slice %arg2[%add3A, %dma_wait3A_32, %dma_wait3A_33] : memref<32x80x125xi32, #tpu.memory_space<hbm>> -> memref<1x80x125xi32, #tpu.memory_space<hbm>>
      %dma_wait3A_35 = tpu.memref_squeeze %dma_wait3A_34 : memref<1x80x125xi32, #tpu.memory_space<hbm>> -> memref<80x125xi32, #tpu.memory_space<hbm>>
      tpu.wait_dma2 semaphore(%run_scoped3A : memref<!tpu.dma_semaphore, #tpu.memory_space<semaphore_mem>>) src(%dma_wait3A_35 : memref<80x125xi32, #tpu.memory_space<hbm>>) dst(%arg4 : memref<80x125xi32, #tpu.memory_space<vmem>>)
      tpu.yield
    }) : () -> ()
    %barrier3A = arith.constant 0 : index
    tpu.barrier barrier_id(%barrier3A)
    %scan3A_12 = arith.constant 0 : i32
    %scan3A_13 = arith.constant 80 : i32
    %scan3A_14 = arith.addi %scan3A_12, %scan3A_13 : i32
    %scan3A_15 = arith.constant 1 : i32
    scf.for %scan3A_22 = %scan3A_12 to %scan3A_14 step %scan3A_15  : i32 {
      %mul3A_23 = arith.constant 1 : i32
      %mul3A_24 = arith.muli %scan3A_22, %mul3A_23 : i32
      %add3A_25 = arith.constant 0 : i32
      %add3A_26 = arith.addi %add3A_25, %mul3A_24 : i32
      "tpu.region"() ({
        %run_scoped3A = tpu.sem_alloc : memref<!tpu.dma_semaphore, #tpu.memory_space<semaphore_mem>>
        %dma_start3A = arith.constant 0 : i32
        %dma_start3A_27 = tpu.memref_slice %arg5[%dma_start3A] : memref<128xf32, #tpu.memory_space<vmem>> -> memref<125xf32, #tpu.memory_space<vmem>>
        %dma_start3A_28 = arith.constant 0 : i32
        %dma_start3A_29 = tpu.memref_slice %arg4[%add3A_26, %dma_start3A_28] : memref<80x125xi32, #tpu.memory_space<vmem>> -> memref<1x125xi32, #tpu.memory_space<vmem>>
        %dma_start3A_30 = tpu.memref_squeeze %dma_start3A_29 : memref<1x125xi32, #tpu.memory_space<vmem>> -> memref<125xi32, #tpu.memory_space<vmem>>
        %dma_start3A_31 = arith.constant 0 : i32
        %dma_start3A_32 = tpu.memref_slice %arg7[%dma_start3A_31] : memref<10240xf32, #tpu.memory_space<vmem_shared>> -> memref<10240xf32, #tpu.memory_space<vmem_shared>>
        tpu.enqueue_indirect_dma source(%dma_start3A_27 : memref<125xf32, #tpu.memory_space<vmem>>) target(%dma_start3A_32 : memref<10240xf32, #tpu.memory_space<vmem_shared>>) offsets(%dma_start3A_30 : memref<125xi32, #tpu.memory_space<vmem>>) semaphore(%run_scoped3A : memref<!tpu.dma_semaphore, #tpu.memory_space<semaphore_mem>>) {add = true}
        %dma_wait3A = arith.constant 0 : i32
        %dma_wait3A_33 = tpu.memref_slice %arg5[%dma_wait3A] : memref<128xf32, #tpu.memory_space<vmem>> -> memref<125xf32, #tpu.memory_space<vmem>>
        %dma_wait3A_34 = arith.constant 0 : i32
        %dma_wait3A_35 = tpu.memref_slice %arg4[%add3A_26, %dma_wait3A_34] : memref<80x125xi32, #tpu.memory_space<vmem>> -> memref<1x125xi32, #tpu.memory_space<vmem>>
        %dma_wait3A_36 = tpu.memref_squeeze %dma_wait3A_35 : memref<1x125xi32, #tpu.memory_space<vmem>> -> memref<125xi32, #tpu.memory_space<vmem>>
        %dma_wait3A_37 = arith.constant 0 : i32
        %dma_wait3A_38 = tpu.memref_slice %arg7[%dma_wait3A_37] : memref<10240xf32, #tpu.memory_space<vmem_shared>> -> memref<10240xf32, #tpu.memory_space<vmem_shared>>
        tpu.wait_indirect_dma semaphore(%run_scoped3A : memref<!tpu.dma_semaphore, #tpu.memory_space<semaphore_mem>>) src(%dma_wait3A_33 : memref<125xf32, #tpu.memory_space<vmem>>) dst(%dma_wait3A_38 : memref<10240xf32, #tpu.memory_space<vmem_shared>>)
        tpu.yield
      }) : () -> ()
    }
    %scan3A_16 = arith.constant 80 : i32
    %barrier3A_17 = arith.constant 0 : index
    tpu.barrier barrier_id(%barrier3A_17)
    %mul3A_18 = arith.constant 640 : i32
    %mul3A_19 = arith.muli %arg1, %mul3A_18 : i32
    %mul3A_20 = arith.constant 640 : i32
    %mul3A_21 = arith.muli %arg1, %mul3A_20 : i32
    "tpu.region"() ({
      %run_scoped3A = tpu.sem_alloc : memref<!tpu.dma_semaphore, #tpu.memory_space<semaphore_mem>>
      %dma_start3A = tpu.memref_slice %arg3[%arg0, %mul3A_21] : memref<2x10240xf32, #tpu.memory_space<hbm>> -> memref<1x640xf32, #tpu.memory_space<hbm>>
      %dma_start3A_22 = tpu.memref_squeeze %dma_start3A : memref<1x640xf32, #tpu.memory_space<hbm>> -> memref<640xf32, #tpu.memory_space<hbm>>
      %dma_start3A_23 = tpu.memref_slice %arg7[%mul3A_19] : memref<10240xf32, #tpu.memory_space<vmem_shared>> -> memref<640xf32, #tpu.memory_space<vmem_shared>>
      tpu.enqueue_dma source(%dma_start3A_23 : memref<640xf32, #tpu.memory_space<vmem_shared>>) target(%dma_start3A_22 : memref<640xf32, #tpu.memory_space<hbm>>) target_semaphore(%run_scoped3A : memref<!tpu.dma_semaphore, #tpu.memory_space<semaphore_mem>>)
      %dma_wait3A = tpu.memref_slice %arg3[%arg0, %mul3A_21] : memref<2x10240xf32, #tpu.memory_space<hbm>> -> memref<1x640xf32, #tpu.memory_space<hbm>>
      %dma_wait3A_24 = tpu.memref_squeeze %dma_wait3A : memref<1x640xf32, #tpu.memory_space<hbm>> -> memref<640xf32, #tpu.memory_space<hbm>>
      %dma_wait3A_25 = tpu.memref_slice %arg7[%mul3A_19] : memref<10240xf32, #tpu.memory_space<vmem_shared>> -> memref<640xf32, #tpu.memory_space<vmem_shared>>
      tpu.wait_dma2 semaphore(%run_scoped3A : memref<!tpu.dma_semaphore, #tpu.memory_space<semaphore_mem>>) src(%dma_wait3A_25 : memref<640xf32, #tpu.memory_space<vmem_shared>>) dst(%dma_wait3A_24 : memref<640xf32, #tpu.memory_space<hbm>>)
      tpu.yield
    }) : () -> ()
    return
  }
}

#map = affine_map<(d0, d1) -> (0, 0, 0)>
module attributes {stable_mosaic.version = 14 : i64} {
  func.func @_agg_body(%arg0: i32, %arg1: i32, %arg2: memref<2x10000x128xf32, #tpu.memory_space<hbm>>, %arg3: memref<16x160x125xi32, #tpu.memory_space<hbm>>, %arg4: memref<16x160x125xi32, #tpu.memory_space<hbm>>, %arg5: memref<2x10000x128xf32, #tpu.memory_space<hbm>>, %arg6: memref<20x125xi32, #tpu.memory_space<vmem>>, %arg7: memref<20x125xi32, #tpu.memory_space<vmem>>, %arg8: memref<2x125x128xf32, #tpu.memory_space<vmem>>, %arg9: memref<10000x128xf32, #tpu.memory_space<vmem_shared>>, %arg10: memref<!tpu.dma_semaphore, #tpu.memory_space<semaphore_mem>>, %arg11: memref<!tpu.dma_semaphore, #tpu.memory_space<semaphore_mem>>) attributes {dimension_semantics = [#tpu.dimension_semantics<core_parallel>, #tpu.dimension_semantics<subcore_parallel>], iteration_bounds = array<i64: 2, 16>, scalar_prefetch = 0 : i64, scratch_operands = 6 : i64, tpu.core_type = #tpu.core_type<sc_vector_subcore>, window_params = [{transform_indices = #map}, {transform_indices = #map}, {transform_indices = #map}, {transform_indices = #map}]} {
    %scan3A = arith.constant 0 : i32
    %scan3A_0 = arith.constant 0 : i32
    %scan3A_1 = arith.constant 125 : i32
    %scan3A_2 = arith.addi %scan3A_0, %scan3A_1 : i32
    %scan3A_3 = arith.constant 1 : i32
    scf.for %scan3A_23 = %scan3A_0 to %scan3A_2 step %scan3A_3  : i32 {
      %mul3A = arith.constant 1 : i32
      %mul3A_24 = arith.muli %scan3A_23, %mul3A : i32
      %add3A = arith.constant 0 : i32
      %add3A_25 = arith.addi %add3A, %mul3A_24 : i32
      %scan3A_26 = arith.constant 0 : i32
      %scan3A_27 = arith.constant 8 : i32
      %scan3A_28 = arith.addi %scan3A_26, %scan3A_27 : i32
      %scan3A_29 = arith.constant 1 : i32
      scf.for %scan3A_31 = %scan3A_26 to %scan3A_28 step %scan3A_29  : i32 {
        %mul3A_32 = arith.constant 1 : i32
        %mul3A_33 = arith.muli %scan3A_31, %mul3A_32 : i32
        %add3A_34 = arith.constant 0 : i32
        %add3A_35 = arith.addi %add3A_34, %mul3A_33 : i32
        %broadcast_in_dim3A = arith.constant 0.000000e+00 : f32
        %broadcast_in_dim3A_36 = vector.broadcast %broadcast_in_dim3A : f32 to vector<16xf32>
        %mul3A_37 = arith.constant 16 : i32
        %mul3A_38 = arith.muli %add3A_35, %mul3A_37 : i32
        %swap3A = arith.constant 0 : i32
        %swap3A_39 = arith.constant 0 : i32
        %swap3A_40 = tpu.memref_slice %arg8[%scan3A, %swap3A, %swap3A_39] : memref<2x125x128xf32, #tpu.memory_space<vmem>> -> memref<1x125x128xf32, #tpu.memory_space<vmem>>
        %swap3A_41 = tpu.memref_squeeze %swap3A_40 : memref<1x125x128xf32, #tpu.memory_space<vmem>> -> memref<125x128xf32, #tpu.memory_space<vmem>>
        %swap3A_42 = arith.index_cast %add3A_25 : i32 to index
        %swap3A_43 = arith.index_cast %mul3A_38 : i32 to index
        %swap3A_44 = tpu.vector_load %swap3A_41[%swap3A_42, %swap3A_43] {strides = array<i32>} : memref<125x128xf32, #tpu.memory_space<vmem>>, vector<1x16xf32>,
        %swap3A_45 = vector.shape_cast %swap3A_44 : vector<1x16xf32> to vector<16xf32>
        %swap3A_46 = vector.shape_cast %broadcast_in_dim3A_36 : vector<16xf32> to vector<1x16xf32>
        tpu.vector_store %swap3A_41[%swap3A_42, %swap3A_43], %swap3A_46 {strides = array<i32>} : memref<125x128xf32, #tpu.memory_space<vmem>>, vector<1x16xf32>,
      }
      %scan3A_30 = arith.constant 8 : i32
    }
    %scan3A_4 = arith.constant 125 : i32
    %scan3A_5 = arith.constant 0 : i32
    %scan3A_6 = arith.constant 0 : i32
    %scan3A_7 = arith.constant 5 : i32
    %scan3A_8 = arith.addi %scan3A_6, %scan3A_7 : i32
    %scan3A_9 = arith.constant 1 : i32
    scf.for %scan3A_23 = %scan3A_6 to %scan3A_8 step %scan3A_9  : i32 {
      %mul3A = arith.constant 1 : i32
      %mul3A_24 = arith.muli %scan3A_23, %mul3A : i32
      %add3A = arith.constant 0 : i32
      %add3A_25 = arith.addi %add3A, %mul3A_24 : i32
      %mul3A_26 = arith.constant 625 : i32
      %mul3A_27 = arith.muli %arg1, %mul3A_26 : i32
      %mul3A_28 = arith.constant 125 : i32
      %mul3A_29 = arith.muli %add3A_25, %mul3A_28 : i32
      %add3A_30 = arith.addi %mul3A_27, %mul3A_29 : i32
      "tpu.region"() ({
        %run_scoped3A = tpu.sem_alloc : memref<!tpu.dma_semaphore, #tpu.memory_space<semaphore_mem>>
        %dma_start3A = arith.constant 0 : i32
        %dma_start3A_31 = arith.constant 0 : i32
        %dma_start3A_32 = tpu.memref_slice %arg8[%scan3A_5, %dma_start3A, %dma_start3A_31] : memref<2x125x128xf32, #tpu.memory_space<vmem>> -> memref<1x125x128xf32, #tpu.memory_space<vmem>>
        %dma_start3A_33 = tpu.memref_squeeze %dma_start3A_32 : memref<1x125x128xf32, #tpu.memory_space<vmem>> -> memref<125x128xf32, #tpu.memory_space<vmem>>
        %dma_start3A_34 = arith.constant 0 : i32
        %dma_start3A_35 = tpu.memref_slice %arg9[%add3A_30, %dma_start3A_34] : memref<10000x128xf32, #tpu.memory_space<vmem_shared>> -> memref<125x128xf32, #tpu.memory_space<vmem_shared>>
        %dma_start3A_36 = arith.constant 0 : i32
        %dma_start3A_37 = tpu.memref_slice %arg9[%add3A_30, %dma_start3A_36] : memref<10000x128xf32, #tpu.memory_space<vmem_shared>> -> memref<125x128xf32, #tpu.memory_space<vmem_shared>>
        %dma_start3A_38 = arith.constant 0 : i32
        %dma_start3A_39 = arith.constant 0 : i32
        %dma_start3A_40 = tpu.memref_slice %arg8[%scan3A_5, %dma_start3A_38, %dma_start3A_39] : memref<2x125x128xf32, #tpu.memory_space<vmem>> -> memref<1x125x128xf32, #tpu.memory_space<vmem>>
        %dma_start3A_41 = tpu.memref_squeeze %dma_start3A_40 : memref<1x125x128xf32, #tpu.memory_space<vmem>> -> memref<125x128xf32, #tpu.memory_space<vmem>>
        tpu.enqueue_dma source(%dma_start3A_41 : memref<125x128xf32, #tpu.memory_space<vmem>>) target(%dma_start3A_37 : memref<125x128xf32, #tpu.memory_space<vmem_shared>>) target_semaphore(%run_scoped3A : memref<!tpu.dma_semaphore, #tpu.memory_space<semaphore_mem>>)
        %dma_wait3A = arith.constant 0 : i32
        %dma_wait3A_42 = arith.constant 0 : i32
        %dma_wait3A_43 = tpu.memref_slice %arg8[%scan3A_5, %dma_wait3A, %dma_wait3A_42] : memref<2x125x128xf32, #tpu.memory_space<vmem>> -> memref<1x125x128xf32, #tpu.memory_space<vmem>>
        %dma_wait3A_44 = tpu.memref_squeeze %dma_wait3A_43 : memref<1x125x128xf32, #tpu.memory_space<vmem>> -> memref<125x128xf32, #tpu.memory_space<vmem>>
        %dma_wait3A_45 = arith.constant 0 : i32
        %dma_wait3A_46 = tpu.memref_slice %arg9[%add3A_30, %dma_wait3A_45] : memref<10000x128xf32, #tpu.memory_space<vmem_shared>> -> memref<125x128xf32, #tpu.memory_space<vmem_shared>>
        %dma_wait3A_47 = arith.constant 0 : i32
        %dma_wait3A_48 = tpu.memref_slice %arg9[%add3A_30, %dma_wait3A_47] : memref<10000x128xf32, #tpu.memory_space<vmem_shared>> -> memref<125x128xf32, #tpu.memory_space<vmem_shared>>
        %dma_wait3A_49 = arith.constant 0 : i32
        %dma_wait3A_50 = arith.constant 0 : i32
        %dma_wait3A_51 = tpu.memref_slice %arg8[%scan3A_5, %dma_wait3A_49, %dma_wait3A_50] : memref<2x125x128xf32, #tpu.memory_space<vmem>> -> memref<1x125x128xf32, #tpu.memory_space<vmem>>
        %dma_wait3A_52 = tpu.memref_squeeze %dma_wait3A_51 : memref<1x125x128xf32, #tpu.memory_space<vmem>> -> memref<125x128xf32, #tpu.memory_space<vmem>>
        tpu.wait_dma2 semaphore(%run_scoped3A : memref<!tpu.dma_semaphore, #tpu.memory_space<semaphore_mem>>) src(%dma_wait3A_52 : memref<125x128xf32, #tpu.memory_space<vmem>>) dst(%dma_wait3A_48 : memref<125x128xf32, #tpu.memory_space<vmem_shared>>)
        tpu.yield
      }) : () -> ()
    }
    %scan3A_10 = arith.constant 5 : i32
    %barrier3A = arith.constant 0 : index
    tpu.barrier barrier_id(%barrier3A)
    %scan3A_11 = arith.constant 0 : i32
    %scan3A_12 = arith.constant 8 : i32
    %scan3A_13 = arith.addi %scan3A_11, %scan3A_12 : i32
    %scan3A_14 = arith.constant 1 : i32
    scf.for %scan3A_23 = %scan3A_11 to %scan3A_13 step %scan3A_14  : i32 {
      %mul3A = arith.constant 1 : i32
      %mul3A_24 = arith.muli %scan3A_23, %mul3A : i32
      %add3A = arith.constant 0 : i32
      %add3A_25 = arith.addi %add3A, %mul3A_24 : i32
      %mul3A_26 = arith.constant 20 : i32
      %mul3A_27 = arith.muli %add3A_25, %mul3A_26 : i32
      "tpu.region"() ({
        %run_scoped3A = tpu.sem_alloc : memref<!tpu.dma_semaphore, #tpu.memory_space<semaphore_mem>>
        %dma_start3A_66 = arith.constant 0 : i32
        %dma_start3A_67 = tpu.memref_slice %arg3[%arg1, %mul3A_27, %dma_start3A_66] : memref<16x160x125xi32, #tpu.memory_space<hbm>> -> memref<1x20x125xi32, #tpu.memory_space<hbm>>
        %dma_start3A_68 = tpu.memref_squeeze %dma_start3A_67 : memref<1x20x125xi32, #tpu.memory_space<hbm>> -> memref<20x125xi32, #tpu.memory_space<hbm>>
        %dma_start3A_69 = arith.constant 0 : i32
        %dma_start3A_70 = tpu.memref_slice %arg3[%arg1, %mul3A_27, %dma_start3A_69] : memref<16x160x125xi32, #tpu.memory_space<hbm>> -> memref<1x20x125xi32, #tpu.memory_space<hbm>>
        %dma_start3A_71 = tpu.memref_squeeze %dma_start3A_70 : memref<1x20x125xi32, #tpu.memory_space<hbm>> -> memref<20x125xi32, #tpu.memory_space<hbm>>
        tpu.enqueue_dma source(%dma_start3A_71 : memref<20x125xi32, #tpu.memory_space<hbm>>) target(%arg6 : memref<20x125xi32, #tpu.memory_space<vmem>>) target_semaphore(%run_scoped3A : memref<!tpu.dma_semaphore, #tpu.memory_space<semaphore_mem>>)
        %dma_wait3A = arith.constant 0 : i32
        %dma_wait3A_72 = tpu.memref_slice %arg3[%arg1, %mul3A_27, %dma_wait3A] : memref<16x160x125xi32, #tpu.memory_space<hbm>> -> memref<1x20x125xi32, #tpu.memory_space<hbm>>
        %dma_wait3A_73 = tpu.memref_squeeze %dma_wait3A_72 : memref<1x20x125xi32, #tpu.memory_space<hbm>> -> memref<20x125xi32, #tpu.memory_space<hbm>>
        %dma_wait3A_74 = arith.constant 0 : i32
        %dma_wait3A_75 = tpu.memref_slice %arg3[%arg1, %mul3A_27, %dma_wait3A_74] : memref<16x160x125xi32, #tpu.memory_space<hbm>> -> memref<1x20x125xi32, #tpu.memory_space<hbm>>
        %dma_wait3A_76 = tpu.memref_squeeze %dma_wait3A_75 : memref<1x20x125xi32, #tpu.memory_space<hbm>> -> memref<20x125xi32, #tpu.memory_space<hbm>>
        tpu.wait_dma2 semaphore(%run_scoped3A : memref<!tpu.dma_semaphore, #tpu.memory_space<semaphore_mem>>) src(%dma_wait3A_76 : memref<20x125xi32, #tpu.memory_space<hbm>>) dst(%arg6 : memref<20x125xi32, #tpu.memory_space<vmem>>)
        tpu.yield
      }) : () -> ()
      %mul3A_28 = arith.constant 20 : i32
      %mul3A_29 = arith.muli %add3A_25, %mul3A_28 : i32
      "tpu.region"() ({
        %run_scoped3A = tpu.sem_alloc : memref<!tpu.dma_semaphore, #tpu.memory_space<semaphore_mem>>
        %dma_start3A_66 = arith.constant 0 : i32
        %dma_start3A_67 = tpu.memref_slice %arg4[%arg1, %mul3A_29, %dma_start3A_66] : memref<16x160x125xi32, #tpu.memory_space<hbm>> -> memref<1x20x125xi32, #tpu.memory_space<hbm>>
        %dma_start3A_68 = tpu.memref_squeeze %dma_start3A_67 : memref<1x20x125xi32, #tpu.memory_space<hbm>> -> memref<20x125xi32, #tpu.memory_space<hbm>>
        %dma_start3A_69 = arith.constant 0 : i32
        %dma_start3A_70 = tpu.memref_slice %arg4[%arg1, %mul3A_29, %dma_start3A_69] : memref<16x160x125xi32, #tpu.memory_space<hbm>> -> memref<1x20x125xi32, #tpu.memory_space<hbm>>
        %dma_start3A_71 = tpu.memref_squeeze %dma_start3A_70 : memref<1x20x125xi32, #tpu.memory_space<hbm>> -> memref<20x125xi32, #tpu.memory_space<hbm>>
        tpu.enqueue_dma source(%dma_start3A_71 : memref<20x125xi32, #tpu.memory_space<hbm>>) target(%arg7 : memref<20x125xi32, #tpu.memory_space<vmem>>) target_semaphore(%run_scoped3A : memref<!tpu.dma_semaphore, #tpu.memory_space<semaphore_mem>>)
        %dma_wait3A = arith.constant 0 : i32
        %dma_wait3A_72 = tpu.memref_slice %arg4[%arg1, %mul3A_29, %dma_wait3A] : memref<16x160x125xi32, #tpu.memory_space<hbm>> -> memref<1x20x125xi32, #tpu.memory_space<hbm>>
        %dma_wait3A_73 = tpu.memref_squeeze %dma_wait3A_72 : memref<1x20x125xi32, #tpu.memory_space<hbm>> -> memref<20x125xi32, #tpu.memory_space<hbm>>
        %dma_wait3A_74 = arith.constant 0 : i32
        %dma_wait3A_75 = tpu.memref_slice %arg4[%arg1, %mul3A_29, %dma_wait3A_74] : memref<16x160x125xi32, #tpu.memory_space<hbm>> -> memref<1x20x125xi32, #tpu.memory_space<hbm>>
        %dma_wait3A_76 = tpu.memref_squeeze %dma_wait3A_75 : memref<1x20x125xi32, #tpu.memory_space<hbm>> -> memref<20x125xi32, #tpu.memory_space<hbm>>
        tpu.wait_dma2 semaphore(%run_scoped3A : memref<!tpu.dma_semaphore, #tpu.memory_space<semaphore_mem>>) src(%dma_wait3A_76 : memref<20x125xi32, #tpu.memory_space<hbm>>) dst(%arg7 : memref<20x125xi32, #tpu.memory_space<vmem>>)
        tpu.yield
      }) : () -> ()
      %dma_start3A = arith.constant 0 : i32
      %dma_start3A_30 = arith.constant 0 : i32
      %dma_start3A_31 = arith.constant 0 : i32
      %dma_start3A_32 = arith.constant 0 : i32
      %dma_start3A_33 = tpu.memref_slice %arg8[%dma_start3A_30, %dma_start3A_31, %dma_start3A_32] : memref<2x125x128xf32, #tpu.memory_space<vmem>> -> memref<1x125x128xf32, #tpu.memory_space<vmem>>
      %dma_start3A_34 = tpu.memref_squeeze %dma_start3A_33 : memref<1x125x128xf32, #tpu.memory_space<vmem>> -> memref<125x128xf32, #tpu.memory_space<vmem>>
      %dma_start3A_35 = arith.constant 0 : i32
      %dma_start3A_36 = tpu.memref_slice %arg6[%dma_start3A, %dma_start3A_35] : memref<20x125xi32, #tpu.memory_space<vmem>> -> memref<1x125xi32, #tpu.memory_space<vmem>>
      %dma_start3A_37 = tpu.memref_squeeze %dma_start3A_36 : memref<1x125xi32, #tpu.memory_space<vmem>> -> memref<125xi32, #tpu.memory_space<vmem>>
      %dma_start3A_38 = arith.constant 0 : i32
      %dma_start3A_39 = arith.constant 0 : i32
      %dma_start3A_40 = tpu.memref_slice %arg2[%arg0, %dma_start3A_38, %dma_start3A_39] : memref<2x10000x128xf32, #tpu.memory_space<hbm>> -> memref<1x10000x128xf32, #tpu.memory_space<hbm>>
      %dma_start3A_41 = tpu.memref_squeeze %dma_start3A_40 : memref<1x10000x128xf32, #tpu.memory_space<hbm>> -> memref<10000x128xf32, #tpu.memory_space<hbm>>
      %dma_start3A_42 = arith.constant 0 : i32
      %dma_start3A_43 = arith.constant 0 : i32
      %dma_start3A_44 = tpu.memref_slice %dma_start3A_41[%dma_start3A_42, %dma_start3A_43] : memref<10000x128xf32, #tpu.memory_space<hbm>> -> memref<10000x128xf32, #tpu.memory_space<hbm>>
      tpu.enqueue_indirect_dma source(%dma_start3A_44 : memref<10000x128xf32, #tpu.memory_space<hbm>>) target(%dma_start3A_34 : memref<125x128xf32, #tpu.memory_space<vmem>>) offsets(%dma_start3A_37 : memref<125xi32, #tpu.memory_space<vmem>>) semaphore(%arg10 : memref<!tpu.dma_semaphore, #tpu.memory_space<semaphore_mem>>)
      %dma_start3A_45 = arith.constant 1 : i32
      %dma_start3A_46 = arith.constant 1 : i32
      %dma_start3A_47 = arith.constant 0 : i32
      %dma_start3A_48 = arith.constant 0 : i32
      %dma_start3A_49 = tpu.memref_slice %arg8[%dma_start3A_46, %dma_start3A_47, %dma_start3A_48] : memref<2x125x128xf32, #tpu.memory_space<vmem>> -> memref<1x125x128xf32, #tpu.memory_space<vmem>>
      %dma_start3A_50 = tpu.memref_squeeze %dma_start3A_49 : memref<1x125x128xf32, #tpu.memory_space<vmem>> -> memref<125x128xf32, #tpu.memory_space<vmem>>
      %dma_start3A_51 = arith.constant 0 : i32
      %dma_start3A_52 = tpu.memref_slice %arg6[%dma_start3A_45, %dma_start3A_51] : memref<20x125xi32, #tpu.memory_space<vmem>> -> memref<1x125xi32, #tpu.memory_space<vmem>>
      %dma_start3A_53 = tpu.memref_squeeze %dma_start3A_52 : memref<1x125xi32, #tpu.memory_space<vmem>> -> memref<125xi32, #tpu.memory_space<vmem>>
      %dma_start3A_54 = arith.constant 0 : i32
      %dma_start3A_55 = arith.constant 0 : i32
      %dma_start3A_56 = tpu.memref_slice %arg2[%arg0, %dma_start3A_54, %dma_start3A_55] : memref<2x10000x128xf32, #tpu.memory_space<hbm>> -> memref<1x10000x128xf32, #tpu.memory_space<hbm>>
      %dma_start3A_57 = tpu.memref_squeeze %dma_start3A_56 : memref<1x10000x128xf32, #tpu.memory_space<hbm>> -> memref<10000x128xf32, #tpu.memory_space<hbm>>
      %dma_start3A_58 = arith.constant 0 : i32
      %dma_start3A_59 = arith.constant 0 : i32
      %dma_start3A_60 = tpu.memref_slice %dma_start3A_57[%dma_start3A_58, %dma_start3A_59] : memref<10000x128xf32, #tpu.memory_space<hbm>> -> memref<10000x128xf32, #tpu.memory_space<hbm>>
      tpu.enqueue_indirect_dma source(%dma_start3A_60 : memref<10000x128xf32, #tpu.memory_space<hbm>>) target(%dma_start3A_50 : memref<125x128xf32, #tpu.memory_space<vmem>>) offsets(%dma_start3A_53 : memref<125xi32, #tpu.memory_space<vmem>>) semaphore(%arg11 : memref<!tpu.dma_semaphore, #tpu.memory_space<semaphore_mem>>)
      %scan3A_61 = arith.constant 0 : i32
      %scan3A_62 = arith.constant 10 : i32
      %scan3A_63 = arith.addi %scan3A_61, %scan3A_62 : i32
      %scan3A_64 = arith.constant 1 : i32
      scf.for %scan3A_66 = %scan3A_61 to %scan3A_63 step %scan3A_64  : i32 {
        %mul3A_67 = arith.constant 1 : i32
        %mul3A_68 = arith.muli %scan3A_66, %mul3A_67 : i32
        %add3A_69 = arith.constant 0 : i32
        %add3A_70 = arith.addi %add3A_69, %mul3A_68 : i32
        %mul3A_71 = arith.constant 2 : i32
        %mul3A_72 = arith.muli %mul3A_71, %add3A_70 : i32
        %add3A_73 = arith.constant 0 : i32
        %add3A_74 = arith.addi %mul3A_72, %add3A_73 : i32
        %dma_wait3A = arith.constant 0 : i32
        %dma_wait3A_75 = arith.constant 0 : i32
        %dma_wait3A_76 = arith.constant 0 : i32
        %dma_wait3A_77 = tpu.memref_slice %arg8[%dma_wait3A, %dma_wait3A_75, %dma_wait3A_76] : memref<2x125x128xf32, #tpu.memory_space<vmem>> -> memref<1x125x128xf32, #tpu.memory_space<vmem>>
        %dma_wait3A_78 = tpu.memref_squeeze %dma_wait3A_77 : memref<1x125x128xf32, #tpu.memory_space<vmem>> -> memref<125x128xf32, #tpu.memory_space<vmem>>
        %dma_wait3A_79 = arith.constant 0 : i32
        %dma_wait3A_80 = tpu.memref_slice %arg6[%add3A_74, %dma_wait3A_79] : memref<20x125xi32, #tpu.memory_space<vmem>> -> memref<1x125xi32, #tpu.memory_space<vmem>>
        %dma_wait3A_81 = tpu.memref_squeeze %dma_wait3A_80 : memref<1x125xi32, #tpu.memory_space<vmem>> -> memref<125xi32, #tpu.memory_space<vmem>>
        %dma_wait3A_82 = arith.constant 0 : i32
        %dma_wait3A_83 = arith.constant 0 : i32
        %dma_wait3A_84 = tpu.memref_slice %arg2[%arg0, %dma_wait3A_82, %dma_wait3A_83] : memref<2x10000x128xf32, #tpu.memory_space<hbm>> -> memref<1x10000x128xf32, #tpu.memory_space<hbm>>
        %dma_wait3A_85 = tpu.memref_squeeze %dma_wait3A_84 : memref<1x10000x128xf32, #tpu.memory_space<hbm>> -> memref<10000x128xf32, #tpu.memory_space<hbm>>
        %dma_wait3A_86 = arith.constant 0 : i32
        %dma_wait3A_87 = arith.constant 0 : i32
        %dma_wait3A_88 = tpu.memref_slice %dma_wait3A_85[%dma_wait3A_86, %dma_wait3A_87] : memref<10000x128xf32, #tpu.memory_space<hbm>> -> memref<10000x128xf32, #tpu.memory_space<hbm>>
        tpu.wait_indirect_dma semaphore(%arg10 : memref<!tpu.dma_semaphore, #tpu.memory_space<semaphore_mem>>) src(%dma_wait3A_88 : memref<10000x128xf32, #tpu.memory_space<hbm>>) dst(%dma_wait3A_78 : memref<125x128xf32, #tpu.memory_space<vmem>>)
        %run_scoped3A = arith.constant 0 : i32
        "tpu.region"() ({
          %run_scoped3A_120 = tpu.sem_alloc : memref<!tpu.dma_semaphore, #tpu.memory_space<semaphore_mem>>
          %dma_start3A_121 = arith.constant 0 : i32
          %dma_start3A_122 = arith.constant 0 : i32
          %dma_start3A_123 = tpu.memref_slice %arg8[%run_scoped3A, %dma_start3A_121, %dma_start3A_122] : memref<2x125x128xf32, #tpu.memory_space<vmem>> -> memref<1x125x128xf32, #tpu.memory_space<vmem>>
          %dma_start3A_124 = tpu.memref_squeeze %dma_start3A_123 : memref<1x125x128xf32, #tpu.memory_space<vmem>> -> memref<125x128xf32, #tpu.memory_space<vmem>>
          %dma_start3A_125 = arith.constant 0 : i32
          %dma_start3A_126 = tpu.memref_slice %arg7[%add3A_74, %dma_start3A_125] : memref<20x125xi32, #tpu.memory_space<vmem>> -> memref<1x125xi32, #tpu.memory_space<vmem>>
          %dma_start3A_127 = tpu.memref_squeeze %dma_start3A_126 : memref<1x125xi32, #tpu.memory_space<vmem>> -> memref<125xi32, #tpu.memory_space<vmem>>
          %dma_start3A_128 = arith.constant 0 : i32
          %dma_start3A_129 = arith.constant 0 : i32
          %dma_start3A_130 = tpu.memref_slice %arg9[%dma_start3A_128, %dma_start3A_129] : memref<10000x128xf32, #tpu.memory_space<vmem_shared>> -> memref<10000x128xf32, #tpu.memory_space<vmem_shared>>
          tpu.enqueue_indirect_dma source(%dma_start3A_124 : memref<125x128xf32, #tpu.memory_space<vmem>>) target(%dma_start3A_130 : memref<10000x128xf32, #tpu.memory_space<vmem_shared>>) offsets(%dma_start3A_127 : memref<125xi32, #tpu.memory_space<vmem>>) semaphore(%run_scoped3A_120 : memref<!tpu.dma_semaphore, #tpu.memory_space<semaphore_mem>>) {add = true}
          %dma_wait3A_131 = arith.constant 0 : i32
          %dma_wait3A_132 = arith.constant 0 : i32
          %dma_wait3A_133 = tpu.memref_slice %arg8[%run_scoped3A, %dma_wait3A_131, %dma_wait3A_132] : memref<2x125x128xf32, #tpu.memory_space<vmem>> -> memref<1x125x128xf32, #tpu.memory_space<vmem>>
          %dma_wait3A_134 = tpu.memref_squeeze %dma_wait3A_133 : memref<1x125x128xf32, #tpu.memory_space<vmem>> -> memref<125x128xf32, #tpu.memory_space<vmem>>
          %dma_wait3A_135 = arith.constant 0 : i32
          %dma_wait3A_136 = tpu.memref_slice %arg7[%add3A_74, %dma_wait3A_135] : memref<20x125xi32, #tpu.memory_space<vmem>> -> memref<1x125xi32, #tpu.memory_space<vmem>>
          %dma_wait3A_137 = tpu.memref_squeeze %dma_wait3A_136 : memref<1x125xi32, #tpu.memory_space<vmem>> -> memref<125xi32, #tpu.memory_space<vmem>>
          %dma_wait3A_138 = arith.constant 0 : i32
          %dma_wait3A_139 = arith.constant 0 : i32
          %dma_wait3A_140 = tpu.memref_slice %arg9[%dma_wait3A_138, %dma_wait3A_139] : memref<10000x128xf32, #tpu.memory_space<vmem_shared>> -> memref<10000x128xf32, #tpu.memory_space<vmem_shared>>
          tpu.wait_indirect_dma semaphore(%run_scoped3A_120 : memref<!tpu.dma_semaphore, #tpu.memory_space<semaphore_mem>>) src(%dma_wait3A_134 : memref<125x128xf32, #tpu.memory_space<vmem>>) dst(%dma_wait3A_140 : memref<10000x128xf32, #tpu.memory_space<vmem_shared>>)
          tpu.yield
        }) : () -> ()
        %add3A_89 = arith.constant 2 : i32
        %add3A_90 = arith.addi %add3A_74, %add3A_89 : i32
        %lt3A = arith.constant 20 : i32
        %lt3A_91 = arith.cmpi slt, %add3A_90, %lt3A : i32
        %convert_element_type3A = arith.extui %lt3A_91 : i1 to i32
        %cond3A = arith.constant 0 : i32
        %cond3A_92 = arith.cmpi ne, %convert_element_type3A, %cond3A : i32
        scf.if %cond3A_92 {
          %add3A_120 = arith.constant 2 : i32
          %add3A_121 = arith.addi %add3A_74, %add3A_120 : i32
          %dma_start3A_122 = arith.constant 0 : i32
          %dma_start3A_123 = arith.constant 0 : i32
          %dma_start3A_124 = arith.constant 0 : i32
          %dma_start3A_125 = tpu.memref_slice %arg8[%dma_start3A_122, %dma_start3A_123, %dma_start3A_124] : memref<2x125x128xf32, #tpu.memory_space<vmem>> -> memref<1x125x128xf32, #tpu.memory_space<vmem>>
          %dma_start3A_126 = tpu.memref_squeeze %dma_start3A_125 : memref<1x125x128xf32, #tpu.memory_space<vmem>> -> memref<125x128xf32, #tpu.memory_space<vmem>>
          %dma_start3A_127 = arith.constant 0 : i32
          %dma_start3A_128 = tpu.memref_slice %arg6[%add3A_121, %dma_start3A_127] : memref<20x125xi32, #tpu.memory_space<vmem>> -> memref<1x125xi32, #tpu.memory_space<vmem>>
          %dma_start3A_129 = tpu.memref_squeeze %dma_start3A_128 : memref<1x125xi32, #tpu.memory_space<vmem>> -> memref<125xi32, #tpu.memory_space<vmem>>
          %dma_start3A_130 = arith.constant 0 : i32
          %dma_start3A_131 = arith.constant 0 : i32
          %dma_start3A_132 = tpu.memref_slice %arg2[%arg0, %dma_start3A_130, %dma_start3A_131] : memref<2x10000x128xf32, #tpu.memory_space<hbm>> -> memref<1x10000x128xf32, #tpu.memory_space<hbm>>
          %dma_start3A_133 = tpu.memref_squeeze %dma_start3A_132 : memref<1x10000x128xf32, #tpu.memory_space<hbm>> -> memref<10000x128xf32, #tpu.memory_space<hbm>>
          %dma_start3A_134 = arith.constant 0 : i32
          %dma_start3A_135 = arith.constant 0 : i32
          %dma_start3A_136 = tpu.memref_slice %dma_start3A_133[%dma_start3A_134, %dma_start3A_135] : memref<10000x128xf32, #tpu.memory_space<hbm>> -> memref<10000x128xf32, #tpu.memory_space<hbm>>
          tpu.enqueue_indirect_dma source(%dma_start3A_136 : memref<10000x128xf32, #tpu.memory_space<hbm>>) target(%dma_start3A_126 : memref<125x128xf32, #tpu.memory_space<vmem>>) offsets(%dma_start3A_129 : memref<125xi32, #tpu.memory_space<vmem>>) semaphore(%arg10 : memref<!tpu.dma_semaphore, #tpu.memory_space<semaphore_mem>>)
        } else {
        }
        %mul3A_93 = arith.constant 2 : i32
        %mul3A_94 = arith.muli %mul3A_93, %add3A_70 : i32
        %add3A_95 = arith.constant 1 : i32
        %add3A_96 = arith.addi %mul3A_94, %add3A_95 : i32
        %dma_wait3A_97 = arith.constant 1 : i32
        %dma_wait3A_98 = arith.constant 0 : i32
        %dma_wait3A_99 = arith.constant 0 : i32
        %dma_wait3A_100 = tpu.memref_slice %arg8[%dma_wait3A_97, %dma_wait3A_98, %dma_wait3A_99] : memref<2x125x128xf32, #tpu.memory_space<vmem>> -> memref<1x125x128xf32, #tpu.memory_space<vmem>>
        %dma_wait3A_101 = tpu.memref_squeeze %dma_wait3A_100 : memref<1x125x128xf32, #tpu.memory_space<vmem>> -> memref<125x128xf32, #tpu.memory_space<vmem>>
        %dma_wait3A_102 = arith.constant 0 : i32
        %dma_wait3A_103 = tpu.memref_slice %arg6[%add3A_96, %dma_wait3A_102] : memref<20x125xi32, #tpu.memory_space<vmem>> -> memref<1x125xi32, #tpu.memory_space<vmem>>
        %dma_wait3A_104 = tpu.memref_squeeze %dma_wait3A_103 : memref<1x125xi32, #tpu.memory_space<vmem>> -> memref<125xi32, #tpu.memory_space<vmem>>
        %dma_wait3A_105 = arith.constant 0 : i32
        %dma_wait3A_106 = arith.constant 0 : i32
        %dma_wait3A_107 = tpu.memref_slice %arg2[%arg0, %dma_wait3A_105, %dma_wait3A_106] : memref<2x10000x128xf32, #tpu.memory_space<hbm>> -> memref<1x10000x128xf32, #tpu.memory_space<hbm>>
        %dma_wait3A_108 = tpu.memref_squeeze %dma_wait3A_107 : memref<1x10000x128xf32, #tpu.memory_space<hbm>> -> memref<10000x128xf32, #tpu.memory_space<hbm>>
        %dma_wait3A_109 = arith.constant 0 : i32
        %dma_wait3A_110 = arith.constant 0 : i32
        %dma_wait3A_111 = tpu.memref_slice %dma_wait3A_108[%dma_wait3A_109, %dma_wait3A_110] : memref<10000x128xf32, #tpu.memory_space<hbm>> -> memref<10000x128xf32, #tpu.memory_space<hbm>>
        tpu.wait_indirect_dma semaphore(%arg11 : memref<!tpu.dma_semaphore, #tpu.memory_space<semaphore_mem>>) src(%dma_wait3A_111 : memref<10000x128xf32, #tpu.memory_space<hbm>>) dst(%dma_wait3A_101 : memref<125x128xf32, #tpu.memory_space<vmem>>)
        %run_scoped3A_112 = arith.constant 1 : i32
        "tpu.region"() ({
          %run_scoped3A_120 = tpu.sem_alloc : memref<!tpu.dma_semaphore, #tpu.memory_space<semaphore_mem>>
          %dma_start3A_121 = arith.constant 0 : i32
          %dma_start3A_122 = arith.constant 0 : i32
          %dma_start3A_123 = tpu.memref_slice %arg8[%run_scoped3A_112, %dma_start3A_121, %dma_start3A_122] : memref<2x125x128xf32, #tpu.memory_space<vmem>> -> memref<1x125x128xf32, #tpu.memory_space<vmem>>
          %dma_start3A_124 = tpu.memref_squeeze %dma_start3A_123 : memref<1x125x128xf32, #tpu.memory_space<vmem>> -> memref<125x128xf32, #tpu.memory_space<vmem>>
          %dma_start3A_125 = arith.constant 0 : i32
          %dma_start3A_126 = tpu.memref_slice %arg7[%add3A_96, %dma_start3A_125] : memref<20x125xi32, #tpu.memory_space<vmem>> -> memref<1x125xi32, #tpu.memory_space<vmem>>
          %dma_start3A_127 = tpu.memref_squeeze %dma_start3A_126 : memref<1x125xi32, #tpu.memory_space<vmem>> -> memref<125xi32, #tpu.memory_space<vmem>>
          %dma_start3A_128 = arith.constant 0 : i32
          %dma_start3A_129 = arith.constant 0 : i32
          %dma_start3A_130 = tpu.memref_slice %arg9[%dma_start3A_128, %dma_start3A_129] : memref<10000x128xf32, #tpu.memory_space<vmem_shared>> -> memref<10000x128xf32, #tpu.memory_space<vmem_shared>>
          tpu.enqueue_indirect_dma source(%dma_start3A_124 : memref<125x128xf32, #tpu.memory_space<vmem>>) target(%dma_start3A_130 : memref<10000x128xf32, #tpu.memory_space<vmem_shared>>) offsets(%dma_start3A_127 : memref<125xi32, #tpu.memory_space<vmem>>) semaphore(%run_scoped3A_120 : memref<!tpu.dma_semaphore, #tpu.memory_space<semaphore_mem>>) {add = true}
          %dma_wait3A_131 = arith.constant 0 : i32
          %dma_wait3A_132 = arith.constant 0 : i32
          %dma_wait3A_133 = tpu.memref_slice %arg8[%run_scoped3A_112, %dma_wait3A_131, %dma_wait3A_132] : memref<2x125x128xf32, #tpu.memory_space<vmem>> -> memref<1x125x128xf32, #tpu.memory_space<vmem>>
          %dma_wait3A_134 = tpu.memref_squeeze %dma_wait3A_133 : memref<1x125x128xf32, #tpu.memory_space<vmem>> -> memref<125x128xf32, #tpu.memory_space<vmem>>
          %dma_wait3A_135 = arith.constant 0 : i32
          %dma_wait3A_136 = tpu.memref_slice %arg7[%add3A_96, %dma_wait3A_135] : memref<20x125xi32, #tpu.memory_space<vmem>> -> memref<1x125xi32, #tpu.memory_space<vmem>>
          %dma_wait3A_137 = tpu.memref_squeeze %dma_wait3A_136 : memref<1x125xi32, #tpu.memory_space<vmem>> -> memref<125xi32, #tpu.memory_space<vmem>>
          %dma_wait3A_138 = arith.constant 0 : i32
          %dma_wait3A_139 = arith.constant 0 : i32
          %dma_wait3A_140 = tpu.memref_slice %arg9[%dma_wait3A_138, %dma_wait3A_139] : memref<10000x128xf32, #tpu.memory_space<vmem_shared>> -> memref<10000x128xf32, #tpu.memory_space<vmem_shared>>
          tpu.wait_indirect_dma semaphore(%run_scoped3A_120 : memref<!tpu.dma_semaphore, #tpu.memory_space<semaphore_mem>>) src(%dma_wait3A_134 : memref<125x128xf32, #tpu.memory_space<vmem>>) dst(%dma_wait3A_140 : memref<10000x128xf32, #tpu.memory_space<vmem_shared>>)
          tpu.yield
        }) : () -> ()
        %add3A_113 = arith.constant 2 : i32
        %add3A_114 = arith.addi %add3A_96, %add3A_113 : i32
        %lt3A_115 = arith.constant 20 : i32
        %lt3A_116 = arith.cmpi slt, %add3A_114, %lt3A_115 : i32
        %convert_element_type3A_117 = arith.extui %lt3A_116 : i1 to i32
        %cond3A_118 = arith.constant 0 : i32
        %cond3A_119 = arith.cmpi ne, %convert_element_type3A_117, %cond3A_118 : i32
        scf.if %cond3A_119 {
          %add3A_120 = arith.constant 2 : i32
          %add3A_121 = arith.addi %add3A_96, %add3A_120 : i32
          %dma_start3A_122 = arith.constant 1 : i32
          %dma_start3A_123 = arith.constant 0 : i32
          %dma_start3A_124 = arith.constant 0 : i32
          %dma_start3A_125 = tpu.memref_slice %arg8[%dma_start3A_122, %dma_start3A_123, %dma_start3A_124] : memref<2x125x128xf32, #tpu.memory_space<vmem>> -> memref<1x125x128xf32, #tpu.memory_space<vmem>>
          %dma_start3A_126 = tpu.memref_squeeze %dma_start3A_125 : memref<1x125x128xf32, #tpu.memory_space<vmem>> -> memref<125x128xf32, #tpu.memory_space<vmem>>
          %dma_start3A_127 = arith.constant 0 : i32
          %dma_start3A_128 = tpu.memref_slice %arg6[%add3A_121, %dma_start3A_127] : memref<20x125xi32, #tpu.memory_space<vmem>> -> memref<1x125xi32, #tpu.memory_space<vmem>>
          %dma_start3A_129 = tpu.memref_squeeze %dma_start3A_128 : memref<1x125xi32, #tpu.memory_space<vmem>> -> memref<125xi32, #tpu.memory_space<vmem>>
          %dma_start3A_130 = arith.constant 0 : i32
          %dma_start3A_131 = arith.constant 0 : i32
          %dma_start3A_132 = tpu.memref_slice %arg2[%arg0, %dma_start3A_130, %dma_start3A_131] : memref<2x10000x128xf32, #tpu.memory_space<hbm>> -> memref<1x10000x128xf32, #tpu.memory_space<hbm>>
          %dma_start3A_133 = tpu.memref_squeeze %dma_start3A_132 : memref<1x10000x128xf32, #tpu.memory_space<hbm>> -> memref<10000x128xf32, #tpu.memory_space<hbm>>
          %dma_start3A_134 = arith.constant 0 : i32
          %dma_start3A_135 = arith.constant 0 : i32
          %dma_start3A_136 = tpu.memref_slice %dma_start3A_133[%dma_start3A_134, %dma_start3A_135] : memref<10000x128xf32, #tpu.memory_space<hbm>> -> memref<10000x128xf32, #tpu.memory_space<hbm>>
          tpu.enqueue_indirect_dma source(%dma_start3A_136 : memref<10000x128xf32, #tpu.memory_space<hbm>>) target(%dma_start3A_126 : memref<125x128xf32, #tpu.memory_space<vmem>>) offsets(%dma_start3A_129 : memref<125xi32, #tpu.memory_space<vmem>>) semaphore(%arg11 : memref<!tpu.dma_semaphore, #tpu.memory_space<semaphore_mem>>)
        } else {
        }
      }
      %scan3A_65 = arith.constant 10 : i32
    }
    %scan3A_15 = arith.constant 8 : i32
    %barrier3A_16 = arith.constant 0 : index
    tpu.barrier barrier_id(%barrier3A_16)
    %scan3A_17 = arith.constant 0 : i32
    %scan3A_18 = arith.constant 0 : i32
    %scan3A_19 = arith.constant 5 : i32
    %scan3A_20 = arith.addi %scan3A_18, %scan3A_19 : i32
    %scan3A_21 = arith.constant 1 : i32
    scf.for %scan3A_23 = %scan3A_18 to %scan3A_20 step %scan3A_21  : i32 {
      %mul3A = arith.constant 1 : i32
      %mul3A_24 = arith.muli %scan3A_23, %mul3A : i32
      %add3A = arith.constant 0 : i32
      %add3A_25 = arith.addi %add3A, %mul3A_24 : i32
      %mul3A_26 = arith.constant 625 : i32
      %mul3A_27 = arith.muli %arg1, %mul3A_26 : i32
      %mul3A_28 = arith.constant 125 : i32
      %mul3A_29 = arith.muli %add3A_25, %mul3A_28 : i32
      %add3A_30 = arith.addi %mul3A_27, %mul3A_29 : i32
      "tpu.region"() ({
        %run_scoped3A = tpu.sem_alloc : memref<!tpu.dma_semaphore, #tpu.memory_space<semaphore_mem>>
        %dma_start3A = arith.constant 0 : i32
        %dma_start3A_31 = arith.constant 0 : i32
        %dma_start3A_32 = tpu.memref_slice %arg8[%scan3A_17, %dma_start3A, %dma_start3A_31] : memref<2x125x128xf32, #tpu.memory_space<vmem>> -> memref<1x125x128xf32, #tpu.memory_space<vmem>>
        %dma_start3A_33 = tpu.memref_squeeze %dma_start3A_32 : memref<1x125x128xf32, #tpu.memory_space<vmem>> -> memref<125x128xf32, #tpu.memory_space<vmem>>
        %dma_start3A_34 = arith.constant 0 : i32
        %dma_start3A_35 = tpu.memref_slice %arg9[%add3A_30, %dma_start3A_34] : memref<10000x128xf32, #tpu.memory_space<vmem_shared>> -> memref<125x128xf32, #tpu.memory_space<vmem_shared>>
        %dma_start3A_36 = arith.constant 0 : i32
        %dma_start3A_37 = arith.constant 0 : i32
        %dma_start3A_38 = tpu.memref_slice %arg8[%scan3A_17, %dma_start3A_36, %dma_start3A_37] : memref<2x125x128xf32, #tpu.memory_space<vmem>> -> memref<1x125x128xf32, #tpu.memory_space<vmem>>
        %dma_start3A_39 = tpu.memref_squeeze %dma_start3A_38 : memref<1x125x128xf32, #tpu.memory_space<vmem>> -> memref<125x128xf32, #tpu.memory_space<vmem>>
        %dma_start3A_40 = arith.constant 0 : i32
        %dma_start3A_41 = tpu.memref_slice %arg9[%add3A_30, %dma_start3A_40] : memref<10000x128xf32, #tpu.memory_space<vmem_shared>> -> memref<125x128xf32, #tpu.memory_space<vmem_shared>>
        tpu.enqueue_dma source(%dma_start3A_41 : memref<125x128xf32, #tpu.memory_space<vmem_shared>>) target(%dma_start3A_39 : memref<125x128xf32, #tpu.memory_space<vmem>>) target_semaphore(%run_scoped3A : memref<!tpu.dma_semaphore, #tpu.memory_space<semaphore_mem>>)
        %dma_wait3A = arith.constant 0 : i32
        %dma_wait3A_42 = arith.constant 0 : i32
        %dma_wait3A_43 = tpu.memref_slice %arg8[%scan3A_17, %dma_wait3A, %dma_wait3A_42] : memref<2x125x128xf32, #tpu.memory_space<vmem>> -> memref<1x125x128xf32, #tpu.memory_space<vmem>>
        %dma_wait3A_44 = tpu.memref_squeeze %dma_wait3A_43 : memref<1x125x128xf32, #tpu.memory_space<vmem>> -> memref<125x128xf32, #tpu.memory_space<vmem>>
        %dma_wait3A_45 = arith.constant 0 : i32
        %dma_wait3A_46 = tpu.memref_slice %arg9[%add3A_30, %dma_wait3A_45] : memref<10000x128xf32, #tpu.memory_space<vmem_shared>> -> memref<125x128xf32, #tpu.memory_space<vmem_shared>>
        %dma_wait3A_47 = arith.constant 0 : i32
        %dma_wait3A_48 = arith.constant 0 : i32
        %dma_wait3A_49 = tpu.memref_slice %arg8[%scan3A_17, %dma_wait3A_47, %dma_wait3A_48] : memref<2x125x128xf32, #tpu.memory_space<vmem>> -> memref<1x125x128xf32, #tpu.memory_space<vmem>>
        %dma_wait3A_50 = tpu.memref_squeeze %dma_wait3A_49 : memref<1x125x128xf32, #tpu.memory_space<vmem>> -> memref<125x128xf32, #tpu.memory_space<vmem>>
        %dma_wait3A_51 = arith.constant 0 : i32
        %dma_wait3A_52 = tpu.memref_slice %arg9[%add3A_30, %dma_wait3A_51] : memref<10000x128xf32, #tpu.memory_space<vmem_shared>> -> memref<125x128xf32, #tpu.memory_space<vmem_shared>>
        tpu.wait_dma2 semaphore(%run_scoped3A : memref<!tpu.dma_semaphore, #tpu.memory_space<semaphore_mem>>) src(%dma_wait3A_52 : memref<125x128xf32, #tpu.memory_space<vmem_shared>>) dst(%dma_wait3A_50 : memref<125x128xf32, #tpu.memory_space<vmem>>)
        tpu.yield
      }) : () -> ()
      "tpu.region"() ({
        %run_scoped3A = tpu.sem_alloc : memref<!tpu.dma_semaphore, #tpu.memory_space<semaphore_mem>>
        %dma_start3A = arith.constant 0 : i32
        %dma_start3A_31 = arith.constant 0 : i32
        %dma_start3A_32 = tpu.memref_slice %arg8[%scan3A_17, %dma_start3A, %dma_start3A_31] : memref<2x125x128xf32, #tpu.memory_space<vmem>> -> memref<1x125x128xf32, #tpu.memory_space<vmem>>
        %dma_start3A_33 = tpu.memref_squeeze %dma_start3A_32 : memref<1x125x128xf32, #tpu.memory_space<vmem>> -> memref<125x128xf32, #tpu.memory_space<vmem>>
        %dma_start3A_34 = arith.constant 0 : i32
        %dma_start3A_35 = tpu.memref_slice %arg5[%arg0, %add3A_30, %dma_start3A_34] : memref<2x10000x128xf32, #tpu.memory_space<hbm>> -> memref<1x125x128xf32, #tpu.memory_space<hbm>>
        %dma_start3A_36 = tpu.memref_squeeze %dma_start3A_35 : memref<1x125x128xf32, #tpu.memory_space<hbm>> -> memref<125x128xf32, #tpu.memory_space<hbm>>
        %dma_start3A_37 = arith.constant 0 : i32
        %dma_start3A_38 = tpu.memref_slice %arg5[%arg0, %add3A_30, %dma_start3A_37] : memref<2x10000x128xf32, #tpu.memory_space<hbm>> -> memref<1x125x128xf32, #tpu.memory_space<hbm>>
        %dma_start3A_39 = tpu.memref_squeeze %dma_start3A_38 : memref<1x125x128xf32, #tpu.memory_space<hbm>> -> memref<125x128xf32, #tpu.memory_space<hbm>>
        %dma_start3A_40 = arith.constant 0 : i32
        %dma_start3A_41 = arith.constant 0 : i32
        %dma_start3A_42 = tpu.memref_slice %arg8[%scan3A_17, %dma_start3A_40, %dma_start3A_41] : memref<2x125x128xf32, #tpu.memory_space<vmem>> -> memref<1x125x128xf32, #tpu.memory_space<vmem>>
        %dma_start3A_43 = tpu.memref_squeeze %dma_start3A_42 : memref<1x125x128xf32, #tpu.memory_space<vmem>> -> memref<125x128xf32, #tpu.memory_space<vmem>>
        tpu.enqueue_dma source(%dma_start3A_43 : memref<125x128xf32, #tpu.memory_space<vmem>>) target(%dma_start3A_39 : memref<125x128xf32, #tpu.memory_space<hbm>>) target_semaphore(%run_scoped3A : memref<!tpu.dma_semaphore, #tpu.memory_space<semaphore_mem>>)
        %dma_wait3A = arith.constant 0 : i32
        %dma_wait3A_44 = arith.constant 0 : i32
        %dma_wait3A_45 = tpu.memref_slice %arg8[%scan3A_17, %dma_wait3A, %dma_wait3A_44] : memref<2x125x128xf32, #tpu.memory_space<vmem>> -> memref<1x125x128xf32, #tpu.memory_space<vmem>>
        %dma_wait3A_46 = tpu.memref_squeeze %dma_wait3A_45 : memref<1x125x128xf32, #tpu.memory_space<vmem>> -> memref<125x128xf32, #tpu.memory_space<vmem>>
        %dma_wait3A_47 = arith.constant 0 : i32
        %dma_wait3A_48 = tpu.memref_slice %arg5[%arg0, %add3A_30, %dma_wait3A_47] : memref<2x10000x128xf32, #tpu.memory_space<hbm>> -> memref<1x125x128xf32, #tpu.memory_space<hbm>>
        %dma_wait3A_49 = tpu.memref_squeeze %dma_wait3A_48 : memref<1x125x128xf32, #tpu.memory_space<hbm>> -> memref<125x128xf32, #tpu.memory_space<hbm>>
        %dma_wait3A_50 = arith.constant 0 : i32
        %dma_wait3A_51 = tpu.memref_slice %arg5[%arg0, %add3A_30, %dma_wait3A_50] : memref<2x10000x128xf32, #tpu.memory_space<hbm>> -> memref<1x125x128xf32, #tpu.memory_space<hbm>>
        %dma_wait3A_52 = tpu.memref_squeeze %dma_wait3A_51 : memref<1x125x128xf32, #tpu.memory_space<hbm>> -> memref<125x128xf32, #tpu.memory_space<hbm>>
        %dma_wait3A_53 = arith.constant 0 : i32
        %dma_wait3A_54 = arith.constant 0 : i32
        %dma_wait3A_55 = tpu.memref_slice %arg8[%scan3A_17, %dma_wait3A_53, %dma_wait3A_54] : memref<2x125x128xf32, #tpu.memory_space<vmem>> -> memref<1x125x128xf32, #tpu.memory_space<vmem>>
        %dma_wait3A_56 = tpu.memref_squeeze %dma_wait3A_55 : memref<1x125x128xf32, #tpu.memory_space<vmem>> -> memref<125x128xf32, #tpu.memory_space<vmem>>
        tpu.wait_dma2 semaphore(%run_scoped3A : memref<!tpu.dma_semaphore, #tpu.memory_space<semaphore_mem>>) src(%dma_wait3A_56 : memref<125x128xf32, #tpu.memory_space<vmem>>) dst(%dma_wait3A_52 : memref<125x128xf32, #tpu.memory_space<hbm>>)
        tpu.yield
      }) : () -> ()
    }
    %scan3A_22 = arith.constant 5 : i32
    return
  }
}

module attributes {stable_mosaic.version = 14 : i64} {
  func.func @_mm_kernel(%arg0: memref<10000x128xf32, #tpu.memory_space<vmem>>, %arg1: memref<128x256xf32, #tpu.memory_space<vmem>>, %arg2: memref<10000x1xf32, #tpu.memory_space<vmem>>, %arg3: memref<2x10000x128xf32, #tpu.memory_space<vmem>>) attributes {dimension_semantics = [], scalar_prefetch = 0 : i64, scratch_operands = 0 : i64, tpu.core_type = #tpu.core_type<tc>} {
    %get3A = arith.constant 0 : index
    %get3A_0 = arith.constant 0 : index
    %get3A_1 = vector.load %arg0[%get3A, %get3A_0] : memref<10000x128xf32, #tpu.memory_space<vmem>>, vector<10000x128xf32>
    %get3A_2 = arith.constant 0 : index
    %get3A_3 = arith.constant 0 : index
    %get3A_4 = vector.load %arg1[%get3A_2, %get3A_3] : memref<128x256xf32, #tpu.memory_space<vmem>>, vector<128x256xf32>
    %dot_general3A = arith.constant dense<0.000000e+00> : vector<10000x256xf32>
    %dot_general3A_5 = tpu.matmul %get3A_1, %get3A_4, %dot_general3A {dimension_numbers = #tpu.dot_dimension_numbers<[1], [0], [0], [1], [0, 0, 1, 1], [], []>, transpose_lhs_hint = false} : vector<10000x128xf32>, vector<128x256xf32>, vector<10000x256xf32> -> vector<10000x256xf32>
    %get3A_6 = arith.constant 0 : index
    %get3A_7 = arith.constant 0 : index
    %get3A_8 = vector.load %arg2[%get3A_6, %get3A_7] : memref<10000x1xf32, #tpu.memory_space<vmem>>, vector<10000x1xf32>
    %mul3A = vector.broadcast %get3A_8 : vector<10000x1xf32> to vector<10000x256xf32>
    %mul3A_9 = arith.mulf %dot_general3A_5, %mul3A : vector<10000x256xf32>
    %slice3A = vector.extract_strided_slice %mul3A_9 {offsets = [0, 0], sizes = [10000, 128], strides = [1, 1]} : vector<10000x256xf32> to vector<10000x128xf32>
    %swap3A = arith.constant 0 : index
    %swap3A_10 = arith.constant 0 : index
    %swap3A_11 = arith.constant 0 : index
    %swap3A_12 = vector.load %arg3[%swap3A, %swap3A_10, %swap3A_11] : memref<2x10000x128xf32, #tpu.memory_space<vmem>>, vector<1x10000x128xf32>
    %swap3A_13 = vector.shape_cast %swap3A_12 : vector<1x10000x128xf32> to vector<10000x128xf32>
    %swap3A_14 = vector.shape_cast %slice3A : vector<10000x128xf32> to vector<1x10000x128xf32>
    tpu.vector_store %arg3[%swap3A, %swap3A_10, %swap3A_11], %swap3A_14 {strides = array<i32>} : memref<2x10000x128xf32, #tpu.memory_space<vmem>>, vector<1x10000x128xf32>,
    %slice3A_15 = vector.extract_strided_slice %mul3A_9 {offsets = [0, 128], sizes = [10000, 128], strides = [1, 1]} : vector<10000x256xf32> to vector<10000x128xf32>
    %swap3A_16 = arith.constant 1 : index
    %swap3A_17 = arith.constant 0 : index
    %swap3A_18 = arith.constant 0 : index
    %swap3A_19 = vector.load %arg3[%swap3A_16, %swap3A_17, %swap3A_18] : memref<2x10000x128xf32, #tpu.memory_space<vmem>>, vector<1x10000x128xf32>
    %swap3A_20 = vector.shape_cast %swap3A_19 : vector<1x10000x128xf32> to vector<10000x128xf32>
    %swap3A_21 = vector.shape_cast %slice3A_15 : vector<10000x128xf32> to vector<1x10000x128xf32>
    tpu.vector_store %arg3[%swap3A_16, %swap3A_17, %swap3A_18], %swap3A_21 {strides = array<i32>} : memref<2x10000x128xf32, #tpu.memory_space<vmem>>, vector<1x10000x128xf32>,
    return
  }
}

module attributes {stable_mosaic.version = 14 : i64} {
  func.func @_tail_kernel(%arg0: memref<10000x128xf32, #tpu.memory_space<vmem>>, %arg1: memref<10000x128xf32, #tpu.memory_space<vmem>>, %arg2: memref<10000x128xf32, #tpu.memory_space<vmem>>, %arg3: memref<10000x128xf32, #tpu.memory_space<vmem>>, %arg4: memref<10000x1xf32, #tpu.memory_space<vmem>>, %arg5: memref<1x256xf32, #tpu.memory_space<vmem>>, %arg6: memref<1x256xf32, #tpu.memory_space<vmem>>, %arg7: memref<10000x256xi32, #tpu.memory_space<vmem>>) attributes {dimension_semantics = [], scalar_prefetch = 0 : i64, scratch_operands = 1 : i64, tpu.core_type = #tpu.core_type<tc>} {
    %get3A = arith.constant 0 : index
    %get3A_0 = arith.constant 0 : index
    %get3A_1 = vector.load %arg0[%get3A, %get3A_0] : memref<10000x128xf32, #tpu.memory_space<vmem>>, vector<10000x128xf32>
    %get3A_2 = arith.constant 0 : index
    %get3A_3 = arith.constant 0 : index
    %get3A_4 = vector.load %arg2[%get3A_2, %get3A_3] : memref<10000x128xf32, #tpu.memory_space<vmem>>, vector<10000x128xf32>
    %add3A = arith.addf %get3A_1, %get3A_4 : vector<10000x128xf32>
    %get3A_5 = arith.constant 0 : index
    %get3A_6 = arith.constant 0 : index
    %get3A_7 = vector.load %arg4[%get3A_5, %get3A_6] : memref<10000x1xf32, #tpu.memory_space<vmem>>, vector<10000x1xf32>
    %mul3A = vector.broadcast %get3A_7 : vector<10000x1xf32> to vector<10000x128xf32>
    %mul3A_8 = arith.mulf %add3A, %mul3A : vector<10000x128xf32>
    %get3A_9 = arith.constant 0 : index
    %get3A_10 = arith.constant 0 : index
    %get3A_11 = vector.load %arg1[%get3A_9, %get3A_10] : memref<10000x128xf32, #tpu.memory_space<vmem>>, vector<10000x128xf32>
    %get3A_12 = arith.constant 0 : index
    %get3A_13 = arith.constant 0 : index
    %get3A_14 = vector.load %arg3[%get3A_12, %get3A_13] : memref<10000x128xf32, #tpu.memory_space<vmem>>, vector<10000x128xf32>
    %add3A_15 = arith.addf %get3A_11, %get3A_14 : vector<10000x128xf32>
    %get3A_16 = arith.constant 0 : index
    %get3A_17 = arith.constant 0 : index
    %get3A_18 = vector.load %arg4[%get3A_16, %get3A_17] : memref<10000x1xf32, #tpu.memory_space<vmem>>, vector<10000x1xf32>
    %mul3A_19 = vector.broadcast %get3A_18 : vector<10000x1xf32> to vector<10000x128xf32>
    %mul3A_20 = arith.mulf %add3A_15, %mul3A_19 : vector<10000x128xf32>
    %concatenate3A = tpu.concatenate %mul3A_8, %mul3A_20 in 1 : vector<10000x128xf32>, vector<10000x128xf32> -> vector<10000x256xf32>
    %get3A_21 = arith.constant 0 : index
    %get3A_22 = arith.constant 0 : index
    %get3A_23 = vector.load %arg5[%get3A_21, %get3A_22] : memref<1x256xf32, #tpu.memory_space<vmem>>, vector<1x256xf32>
    %add3A_24 = vector.broadcast %get3A_23 : vector<1x256xf32> to vector<10000x256xf32>
    %add3A_25 = arith.addf %concatenate3A, %add3A_24 : vector<10000x256xf32>
    %bitcast_convert_type3A = tpu.bitcast %add3A_25 : vector<10000x256xf32> -> vector<10000x256xi32>
    %shift_right_arithmetic3A = arith.constant 31 : i32
    %shift_right_arithmetic3A_26 = vector.broadcast %shift_right_arithmetic3A : i32 to vector<10000x256xi32>
    %shift_right_arithmetic3A_27 = arith.shrsi %bitcast_convert_type3A, %shift_right_arithmetic3A_26 : vector<10000x256xi32>
    %bitcast_convert_type3A_28 = tpu.bitcast %bitcast_convert_type3A : vector<10000x256xi32> -> vector<10000x256xi32>
    %bitcast_convert_type3A_29 = tpu.bitcast %shift_right_arithmetic3A_27 : vector<10000x256xi32> -> vector<10000x256xi32>
    %or3A = arith.constant -2147483648 : i32
    %or3A_30 = vector.broadcast %or3A : i32 to vector<10000x256xi32>
    %or3A_31 = arith.ori %bitcast_convert_type3A_29, %or3A_30 : vector<10000x256xi32>
    %xor3A = arith.xori %bitcast_convert_type3A_28, %or3A_31 : vector<10000x256xi32>
    %swap3A = arith.constant 0 : index
    %swap3A_32 = arith.constant 0 : index
    %swap3A_33 = vector.load %arg7[%swap3A, %swap3A_32] : memref<10000x256xi32, #tpu.memory_space<vmem>>, vector<10000x256xi32>
    tpu.vector_store %arg7[%swap3A, %swap3A_32], %xor3A {strides = array<i32>} : memref<10000x256xi32, #tpu.memory_space<vmem>>, vector<10000x256xi32>,
    %get3A_34 = arith.constant 0 : index
    %get3A_35 = arith.constant 0 : index
    %get3A_36 = vector.load %arg7[%get3A_34, %get3A_35] : memref<10000x256xi32, #tpu.memory_space<vmem>>, vector<10000x256xi32>
    %broadcast_in_dim3A = arith.constant 0 : i32
    %broadcast_in_dim3A_37 = vector.broadcast %broadcast_in_dim3A : i32 to vector<1x256xi32>
    %broadcast_in_dim3A_38 = arith.constant -1 : i32
    %broadcast_in_dim3A_39 = vector.broadcast %broadcast_in_dim3A_38 : i32 to vector<1x256xi32>
    %scan3A = arith.constant 0 : i32
    %scan3A_40 = arith.constant 32 : i32
    %scan3A_41 = arith.addi %scan3A, %scan3A_40 : i32
    %scan3A_42 = arith.constant 1 : i32
    %scan3A_43:2 = scf.for %scan3A_92 = %scan3A to %scan3A_41 step %scan3A_42 iter_args(%scan3A_93 = %broadcast_in_dim3A_37, %scan3A_94 = %broadcast_in_dim3A_39) -> (vector<1x256xi32>, vector<1x256xi32>)  : i32 {
      %sub3A = arith.subi %scan3A_94, %scan3A_93 : vector<1x256xi32>
      %jit3A_95 = arith.constant 2 : i32
      %div3A = vector.broadcast %jit3A_95 : i32 to vector<1x256xi32>
      %div3A_96 = arith.divui %sub3A, %div3A : vector<1x256xi32>
      %add3A_97 = arith.addi %scan3A_93, %div3A_96 : vector<1x256xi32>
      %le3A_98 = vector.broadcast %add3A_97 : vector<1x256xi32> to vector<10000x256xi32>
      %le3A_99 = arith.cmpi ule, %get3A_36, %le3A_98 : vector<10000x256xi32>
      %convert_element_type3A_100 = arith.extui %le3A_99 : vector<10000x256xi1> to vector<10000x256xi32>
      %reduce_sum3A_101 = arith.constant dense<0> : vector<256xi32>
      %reduce_sum3A_102 = vector.multi_reduction <add>, %convert_element_type3A_100, %reduce_sum3A_101 [0] : vector<10000x256xi32> to vector<256xi32>
      %broadcast_in_dim3A_103 = vector.shape_cast %reduce_sum3A_102 : vector<256xi32> to vector<1x256xi32>
      %ge3A_104 = arith.constant 5000 : i32
      %ge3A_105 = vector.broadcast %ge3A_104 : i32 to vector<1x256xi32>
      %ge3A_106 = arith.cmpi sge, %broadcast_in_dim3A_103, %ge3A_105 : vector<1x256xi32>
      %select_n3A_107 = arith.select %ge3A_106, %add3A_97, %scan3A_94 : vector<1x256xi1>, vector<1x256xi32>
      %add3A_108 = arith.constant 1 : i32
      %add3A_109 = vector.broadcast %add3A_108 : i32 to vector<1x256xi32>
      %add3A_110 = arith.addi %add3A_97, %add3A_109 : vector<1x256xi32>
      %select_n3A_111 = arith.select %ge3A_106, %scan3A_93, %add3A_110 : vector<1x256xi1>, vector<1x256xi32>
      scf.yield %select_n3A_111, %select_n3A_107 : vector<1x256xi32>, vector<1x256xi32>
    }
    %le3A = vector.broadcast %scan3A_43#0 : vector<1x256xi32> to vector<10000x256xi32>
    %le3A_44 = arith.cmpi ule, %get3A_36, %le3A : vector<10000x256xi32>
    %convert_element_type3A = arith.extui %le3A_44 : vector<10000x256xi1> to vector<10000x256xi32>
    %reduce_sum3A = arith.constant dense<0> : vector<256xi32>
    %reduce_sum3A_45 = vector.multi_reduction <add>, %convert_element_type3A, %reduce_sum3A [0] : vector<10000x256xi32> to vector<256xi32>
    %broadcast_in_dim3A_46 = vector.shape_cast %reduce_sum3A_45 : vector<256xi32> to vector<1x256xi32>
    %xor3A_47 = arith.constant -2147483648 : i32
    %xor3A_48 = vector.broadcast %xor3A_47 : i32 to vector<10000x256xi32>
    %xor3A_49 = arith.xori %get3A_36, %xor3A_48 : vector<10000x256xi32>
    %bitcast_convert_type3A_50 = tpu.bitcast %xor3A_49 : vector<10000x256xi32> -> vector<10000x256xi32>
    %xor3A_51 = arith.constant -2147483648 : i32
    %xor3A_52 = vector.broadcast %xor3A_51 : i32 to vector<1x256xi32>
    %xor3A_53 = arith.xori %scan3A_43#0, %xor3A_52 : vector<1x256xi32>
    %bitcast_convert_type3A_54 = tpu.bitcast %xor3A_53 : vector<1x256xi32> -> vector<1x256xi32>
    %gt3A = vector.broadcast %bitcast_convert_type3A_54 : vector<1x256xi32> to vector<10000x256xi32>
    %gt3A_55 = arith.cmpi sgt, %bitcast_convert_type3A_50, %gt3A : vector<10000x256xi32>
    %jit3A = arith.constant 2147483647 : i32
    %broadcast_in_dim3A_56 = vector.broadcast %jit3A : i32 to vector<10000x256xi32>
    %select_n3A = arith.select %gt3A_55, %bitcast_convert_type3A_50, %broadcast_in_dim3A_56 : vector<10000x256xi1>, vector<10000x256xi32>
    %reduce_min3A = arith.constant dense<2147483647> : vector<256xi32>
    %reduce_min3A_57 = vector.multi_reduction <minsi>, %select_n3A, %reduce_min3A [0] : vector<10000x256xi32> to vector<256xi32>
    %broadcast_in_dim3A_58 = vector.shape_cast %reduce_min3A_57 : vector<256xi32> to vector<1x256xi32>
    %bitcast_convert_type3A_59 = tpu.bitcast %broadcast_in_dim3A_58 : vector<1x256xi32> -> vector<1x256xi32>
    %xor3A_60 = arith.constant -2147483648 : i32
    %xor3A_61 = vector.broadcast %xor3A_60 : i32 to vector<1x256xi32>
    %xor3A_62 = arith.xori %bitcast_convert_type3A_59, %xor3A_61 : vector<1x256xi32>
    %ge3A = arith.constant 5001 : i32
    %ge3A_63 = vector.broadcast %ge3A : i32 to vector<1x256xi32>
    %ge3A_64 = arith.cmpi sge, %broadcast_in_dim3A_46, %ge3A_63 : vector<1x256xi32>
    %select_n3A_65 = arith.select %ge3A_64, %scan3A_43#0, %xor3A_62 : vector<1x256xi1>, vector<1x256xi32>
    %ge3A_66 = arith.constant -2147483648 : i32
    %ge3A_67 = vector.broadcast %ge3A_66 : i32 to vector<1x256xi32>
    %ge3A_68 = arith.cmpi uge, %scan3A_43#0, %ge3A_67 : vector<1x256xi32>
    %xor3A_69 = arith.constant -2147483648 : i32
    %xor3A_70 = vector.broadcast %xor3A_69 : i32 to vector<1x256xi32>
    %xor3A_71 = arith.xori %scan3A_43#0, %xor3A_70 : vector<1x256xi32>
    %not3A = arith.constant dense<-1> : vector<1x256xi32>
    %not3A_72 = arith.xori %scan3A_43#0, %not3A : vector<1x256xi32>
    %select_n3A_73 = arith.select %ge3A_68, %xor3A_71, %not3A_72 : vector<1x256xi1>, vector<1x256xi32>
    %bitcast_convert_type3A_74 = tpu.bitcast %select_n3A_73 : vector<1x256xi32> -> vector<1x256xf32>
    %ge3A_75 = arith.constant -2147483648 : i32
    %ge3A_76 = vector.broadcast %ge3A_75 : i32 to vector<1x256xi32>
    %ge3A_77 = arith.cmpi uge, %select_n3A_65, %ge3A_76 : vector<1x256xi32>
    %xor3A_78 = arith.constant -2147483648 : i32
    %xor3A_79 = vector.broadcast %xor3A_78 : i32 to vector<1x256xi32>
    %xor3A_80 = arith.xori %select_n3A_65, %xor3A_79 : vector<1x256xi32>
    %not3A_81 = arith.constant dense<-1> : vector<1x256xi32>
    %not3A_82 = arith.xori %select_n3A_65, %not3A_81 : vector<1x256xi32>
    %select_n3A_83 = arith.select %ge3A_77, %xor3A_80, %not3A_82 : vector<1x256xi1>, vector<1x256xi32>
    %bitcast_convert_type3A_84 = tpu.bitcast %select_n3A_83 : vector<1x256xi32> -> vector<1x256xf32>
    %add3A_85 = arith.addf %bitcast_convert_type3A_74, %bitcast_convert_type3A_84 : vector<1x256xf32>
    %mul3A_86 = arith.constant 5.000000e-01 : f32
    %mul3A_87 = vector.broadcast %mul3A_86 : f32 to vector<1x256xf32>
    %mul3A_88 = arith.mulf %mul3A_87, %add3A_85 : vector<1x256xf32>
    %swap3A_89 = arith.constant 0 : index
    %swap3A_90 = arith.constant 0 : index
    %swap3A_91 = vector.load %arg6[%swap3A_89, %swap3A_90] : memref<1x256xf32, #tpu.memory_space<vmem>>, vector<1x256xf32>
    tpu.vector_store %arg6[%swap3A_89, %swap3A_90], %mul3A_88 {strides = array<i32>} : memref<1x256xf32, #tpu.memory_space<vmem>>, vector<1x256xf32>,
    return
  }
}

</mosaic_0001>

<sc_bundles>
// kernel: kernel.6.cloned.1.call-start
scs
__scs_entry_jumppad:
0x0: {  	(pc) =	sbr.rel $0x88, $3  }
0x1: {  	(tag) =	ssettag $0x0;
	lr =	simm.s32 $0x1  }
0x2: {  	[smem:$0x3F8D] =	sst lr;
	_ =	strace $0xD0000000  }
0x3: {  	_ = 	snop  }
0x4: {  	_ = 	snop  }
0x5: {  	_ = 	snop  }
0x6: {  	_ = 	snop  }
0x7: {  	_ = 	snop  }
__scs_overlays_trampoline_lowered:
0x8: {  	[smem:$0x3F9C] =	sst s0  }
0x9: {  	[smem:$0x3F9D] =	sst s1  }
0xa: {  	[smem:$0x3F9E] =	sst s2  }
0xb: {  	[smem:$0x3F9F] =	sst s3  }
0xc: {  	[smem:$0x3FA0] =	sst s4  }
0xd: {  	[smem:$0x3FA1] =	sst s5  }
0xe: {  	[smem:$0x3FA2] =	sst s6  }
0xf: {  	[smem:$0x3FA3] =	sst s7  }
0x10: {  	[smem:$0x3FA4] =	sst s8  }
0x11: {  	[smem:$0x3FA5] =	sst s9;
	s0 =	simm.s32 @!p0 $0x0  }
0x12: {  	s1 =	sld [smem:$0x3F8B];
	s0 =	simm.s32 @p0 $0x1  }
0x13: {  	[smem:$0x3FA6] =	sst s0;
	s0 =	simm.s32 @!p1 $0x0  }
0x14: {  	s2 =	sld [smem:$0x3F8A];
	s0 =	simm.s32 @p1 $0x1  }
0x15: {  	[smem:$0x3FA7] =	sst s0;
	s0 =	simm.s32 @!p2 $0x0  }
0x16: {  	s3 =	sld [smem:$0x3FDB];
	s0 =	simm.s32 @p2 $0x1  }
0x17: {  	s4 =	simm.s32 $0x1BF5;
	[smem:$0x3FA9] =	sst s0  }
0x18: {  	s0 =	sld [smem:$0x3F8C];
	_ =	swait.ge [sflag:s4], $0x0  }
0x19: {  	s7 =	sld [smem:$0x3F8D]  }
0x1a: {  	s8 =	sadd.s32 $0xFFFFE003, lr  }
0x1b: {  	s9 =	sadd.s32 $0xFFFFFEF7, lr;
	s5 =	simm.s32 $0xFFFFFFFF;
	p2 =	slt.u32 s8, $0xFFFFF086  }
0x1c: {  	p1 =	slt.u32 s9, $0xF7A;
	s5 =	simm.s32 @!p2 $0x0  }
0x1d: {  	s5 =	simm.s32 @p1 $0x1;
	p0 =	seq.s32 s7, s2  }
0x1e: {  	s7 =	smul.u32 @!p0 $0xF7A, s2;
	p2 =	seq.s32 @!p0 s5, $0x0  }
0x1f: {  	s9 =	smul.u32 $0xF7A, s1;
	s8 =	simm.s32 @!p0 $0x1BF5;
	p2 =	por !p2, p0  }
0x20: {  	[sflag:s8] =	ssyncset.s32 @!p0 $0xFFFFF086;
	s6 =	sadd.s32 @!p0 s3, s7;
	s7 =	simm.s32 @!p0 $0x108  }
0x21: {  	s3 =	sadd.s32 s3, s9;
	s6 =	sadd.s32 @!p0 $0x88, s6;
	s7 =	simm.s32 @p2 $0x1082  }
0x22: {  	[simem:s7], [sflag:s8] =	dma.local @!p0 [hbm:s6], $0xF7A  }
0x23: {  	s9 =	sor.u32 $0xD0000000, s2;
	s6 =	simm.s32 $0x108;
	_ =	swait.ge @!p0 [sflag:s8], $0x0  }
0x24: {  	s3 =	sadd.s32 $0x88, s3;
	s6 =	simm.s32 @!p1 $0x1082;
	[sflag:s4] =	ssyncset.s32 $0xFFFFF086  }
0x25: {  	[simem:s6], [sflag:s4] =	dma.local [hbm:s3], $0xF7A  }
0x26: {  	[smem:$0x3F8D] =	sst s1;
	(tag) =	ssettag s2;
	_ =	strace s9  }
0x27: {  	s1 =	sld [smem:$0x3F9D]  }
0x28: {  	s2 =	sld [smem:$0x3F9E]  }
0x29: {  	s4 =	sld [smem:$0x3FA0]  }
0x2a: {  	p0 =	seq.s32 s5, $0x0;
	s5 =	sld [smem:$0x3FA1]  }
0x2b: {  	s6 =	sld [smem:$0x3FA2]  }
0x2c: {  	s7 =	sld [smem:$0x3FA3]  }
0x2d: {  	s3 =	simm.s32 $0x108;
	s8 =	sld [smem:$0x3FA4]  }
0x2e: {  	s3 =	simm.s32 @!p0 $0x1082;
	s9 =	sld [smem:$0x3FA5]  }
0x2f: {  	lr =	sadd.s32 s0, s3;
	s0 =	sld [smem:$0x3F9C]  }
0x30: {  	s3 =	sld [smem:$0x3F9F]  }
0x31: {  	[smem:$0x3FA8] =	sst s10  }
0x32: {  	s10 =	sld [smem:$0x3FA6];
	_ =	sdelay $0x3  }
0x33: {  	p0 =	seq.s32 s10, $0x1;
	s10 =	sld [smem:$0x3FA8];
	_ =	sdelay $0x3  }
0x34: {  	[smem:$0x3FA8] =	sst s10  }
0x35: {  	s10 =	sld [smem:$0x3FA7];
	_ =	sdelay $0x3  }
0x36: {  	p1 =	seq.s32 s10, $0x1;
	s10 =	sld [smem:$0x3FA8];
	_ =	sdelay $0x3  }
0x37: {  	[smem:$0x3FA8] =	sst s10  }
0x38: {  	s10 =	sld [smem:$0x3FA9]  }
0x39: {  	_ = 	snop;
	(pc) =	sbr.ind lr, $3  }
0x3a: {  	_ = 	snop  }
0x3b: {  	_ = 	snop  }
0x3c: {  	p2 =	seq.s32 s10, $0x1;
	s10 =	sld [smem:$0x3FA8]  }
0x3d: {  	_ =	shalt  }
0x3e: {  	_ =	shalt  }
0x3f: {  	_ =	shalt  }
0x40: {  	_ =	shalt  }
0x41: {  	_ =	shalt  }
0x42: {  	_ =	shalt  }
0x43: {  	_ =	shalt  }
0x44: {  	_ =	shalt  }
0x45: {  	_ =	shalt  }
0x46: {  	_ =	shalt  }
0x47: {  	_ =	shalt  }
0x48: {  	_ =	shalt  }
0x49: {  	_ =	shalt  }
0x4a: {  	_ =	shalt  }
0x4b: {  	_ =	shalt  }
0x4c: {  	_ =	shalt  }
0x4d: {  	_ =	shalt  }
0x4e: {  	_ =	shalt  }
0x4f: {  	_ =	shalt  }
0x50: {  	_ =	shalt  }
0x51: {  	_ =	shalt  }
0x52: {  	_ =	shalt  }
0x53: {  	_ =	shalt  }
0x54: {  	_ =	shalt  }
0x55: {  	_ =	shalt  }
0x56: {  	_ =	shalt  }
0x57: {  	_ =	shalt  }
0x58: {  	_ =	shalt  }
0x59: {  	_ =	shalt  }
0x5a: {  	_ =	shalt  }
0x5b: {  	_ =	shalt  }
0x5c: {  	_ =	shalt  }
0x5d: {  	_ =	shalt  }
0x5e: {  	_ =	shalt  }
0x5f: {  	_ =	shalt  }
0x60: {  	_ =	shalt  }
0x61: {  	_ =	shalt  }
0x62: {  	_ =	shalt  }
0x63: {  	_ =	shalt  }
0x64: {  	_ =	shalt  }
0x65: {  	_ =	shalt  }
0x66: {  	_ =	shalt  }
0x67: {  	_ =	shalt  }
0x68: {  	_ =	shalt  }
0x69: {  	_ =	shalt  }
0x6a: {  	_ =	shalt  }
0x6b: {  	_ =	shalt  }
0x6c: {  	_ =	shalt  }
0x6d: {  	_ =	shalt  }
0x6e: {  	_ =	shalt  }
0x6f: {  	_ =	shalt  }
0x70: {  	_ =	shalt  }
0x71: {  	_ =	shalt  }
0x72: {  	_ =	shalt  }
0x73: {  	_ =	shalt  }
0x74: {  	_ =	shalt  }
0x75: {  	_ =	shalt  }
0x76: {  	_ =	shalt  }
0x77: {  	_ =	shalt  }
0x78: {  	_ =	shalt  }
0x79: {  	_ =	shalt  }
0x7a: {  	_ =	shalt  }
0x7b: {  	_ =	shalt  }
0x7c: {  	_ =	shalt  }
0x7d: {  	_ =	shalt  }
0x7e: {  	_ =	shalt  }
0x7f: {  	_ =	shalt  }
0x80: {  	_ =	shalt  }
0x81: {  	_ =	shalt  }
0x82: {  	_ =	shalt  }
0x83: {  	_ =	shalt  }
0x84: {  	_ =	shalt  }
0x85: {  	_ =	shalt  }
0x86: {  	_ =	shalt  }
0x87: {  	_ =	shalt  }
.Lfunc_end0:
.L_simem_size_0:
called_computation_lowered:
.L_overlay_start_0:
0x88: {  	s2 =	sld [smem:$0x3FD9]  }
0x89: {  	s3 =	sld [smem:$0x3FFE];
	_ =	sdelay $0x1  }
0x8a: {  	s1 =	srdreg.scid  }
0x8b: {  	s0 =	sand.u32 $0x1, s1  }
0x8c: {  	s16 =	sshll.u32 s0, $0xA;
	s2 =	sadd.s32 s3, s2  }
0x8d: {  	s2 =	sadd.s32 s2, s16  }
0x8e: {  	[smem:$0x3FB4] =	sst s2  }
0x8f: {  	_ = 	snop  }
0x90: {  	(tm) =	ssettm $0x1  }
0x91: {  	s17 =	sld [smem:$0x3FFB];
	_ =	sdelay $0x3  }
0x92: {  	_ =	strace s17  }
0x93: {  	s2 =	sld [smem:$0x3FFC];
	_ =	sdelay $0x3  }
0x94: {  	_ =	strace s2  }
0x95: {  	s2 =	sld [smem:$0x3FFD];
	_ =	sdelay $0x3  }
0x96: {  	_ =	strace s2  }
0x97: {  	_ =	strace $0x8FFFFFFF  }
0x98: {  	s18 =	sld [smem:$0x3FDB];
	_ =	sdelay $0x1  }
0x99: {  	s19 =	simm.s32 $_scs_section_size  }
0x9a: {  	s4 =	simm.s32 $_size__tile_overlayer_lowered;
	s5 =	simm.s32 $_tile_overlayer_lowered  }
0x9b: {  	s22 =	simm.s32 $0x1BFF;
	s21 =	sshll.u32 s5, $0x1;
	s2 =	sadd.s32 s19, s18  }
0x9c: {  	s6 =	simm.s32 $0x0;
	s20 =	sshll.u32 s4, $0x1;
	s4 =	sadd.s32 s21, s2  }
0x9d: {  	[timem:s6], [sflag:s22] =	dma.local [hbm:s4], s20  }
0x9e: {  	_ =	swait.ge [sflag:s22], s20  }
0x9f: {  	s3 =	ssub.s32 $0x0, s20;
	[sflag:s22] =	ssyncset.done $0x0  }
0xa0: {  	[sflag:s22] =	ssyncadd.s32 s3;
	_ =	sdelay $0x1  }
0xa1: {  	s23 =	simm.s32 $0x1B8B  }
0xa2: {  	_ =	swait.ge [sflag:s23], $0x1  }
0xa3: {  	[sflag:s23] =	ssyncset.done $0x0  }
0xa4: {  	s25 =	simm.s32 $0x1B8E;
	s24 =	sld [smem:$0x3FFE];
	[sflag:s23] =	ssyncadd.s32 $0xFFFFFFFF  }
0xa5: {  	s26 =	simm.s32 $execute0_lowered;
	[smem:$0x3FD2] =	sst s25  }
0xa6: {  	s4 =	sshll.u32 s26, $0x1;
	_ =	strace $0x80000046;
	[dreg:$0x1] =	wrdreg $0xFFFFFFFF  }
0xa7: {  	s28 =	simm.s32 $_size_execute0_lowered;
	s2 =	sadd.s32 s2, s4;
	[dreg:$0x0] =	wrdreg $0x0  }
0xa8: {  	s4 =	sshll.u32 s28, $0x1;
	[dreg:$0x2] =	wrdreg s2  }
0xa9: {  	[dreg:$0x3] =	wrdreg s4  }
0xaa: {  	[dreg:$0x4] =	wrdreg $0xC0  }
0xab: {  	_ =	task [dreg:s6], $0x5FFFF  }
0xac: {  	[dreg:$0x1] =	wrdreg $0xFFFFFFFF  }
0xad: {  	[dreg:$0x0] =	wrdreg $0x60  }
0xae: {  	[dreg:$0x2] =	wrdreg s24  }
0xaf: {  	[dreg:$0x3] =	wrdreg $0x2B000  }
0xb0: {  	[dreg:$0x4] =	wrdreg $0x9  }
0xb1: {  	_ =	task.clear_ibuf [dreg:s6], $0x5FFFF;
	_ =	strace $0x90000046  }
0xb2: {  	s29 =	simm.s32 $0x9;
	_ =	strace $0x80000048  }
0xb3: {  	_ =	swait.ge [sflag:s29], $0x1  }
0xb4: {  	[sflag:s29] =	ssyncadd.s32 $0xFFFFFFFF  }
0xb5: {  	_ =	strace $0x90000048  }
0xb6: {  	_ =	sfence  }
0xb7: {  	s30 =	sld [smem:$0x0];
	_ =	sdelay $0x2  }
0xb8: {  	s31 =	sshll.u32 s1, $0xD;
	s1 =	sshrl.u32 s1, $0x2  }
0xb9: {  	s3 =	sand.u32 $0x4000, s31;
	s1 =	sadd.s32 s1, s30  }
0xba: {  	s0 =	sor.u32 s3, s0;
	s1 =	sshll.u32 s1, $0x11  }
0xbb: {  	s0 =	sor.u32 s1, s0  }
0xbc: {  	s0 =	sadd.s32 $0x8F2B, s0  }
0xbd: {  	[sflag:s0] =	ssyncadd.remote.s32 $0x1  }
0xbe: {  	_ =	sfence.sel $0xFFFF  }
0xbf: {  	[dreg:$0x0] =	wrdreg $0xFFFFFFFF;
	(pc) =	sbr.abs _section_cstart, $3  }
0xc0: {  	[dreg:$0x1] =	wrdreg $0xFFFFFFFF  }
0xc1: {  	_ =	task.clear_ibuf [dreg:s6], $0x2FFFF;
	_ =	strace $0x9FFFFFFF  }
0xc2: {  	(tm) =	ssettm $0x7FFFFFFF  }
0xc3: {  	_ =	shalt  }
tec
execute0_lowered:
.L_overlay_start_1:
0x0: {  	(tag) =	ssettag $0x1  }
0x1: {  	s4 =	rddreg [dreg:$0x0]  }
0x2: {  	s2 =	rddreg [dreg:$0x1];
	s3 =	srdreg.scid  }
0x3: {  	s1 =	stileid.u32;
	s0 =	rddreg [dreg:$0x2];
	s10 =	simm.s32 $0x7D  }
0x4: {  	s11 =	simm.s32 $0x2800;
	s14 =	simm.s32 $0x0;
	s5 =	sand.u32 $0x1, s3  }
0x5: {  	s6 =	smul.u32 $0x280, s1;
	s3 =	simm.s32 $0x0;
	s12 =	sshll.u32 s1, $0x6  }
0x6: {  	s7 =	sshll.u32 s5, $0x4;
	s8 =	smul.u32 $0x2800, s5;
	[smem:$0x7FF] =	sst s3  }
0x7: {  	s5 =	ssub.s32 $0x2, s5;
	s12 =	sor.u32 $0x1C01, s12;
	s7 =	sor.u32 s1, s7  }
0x8: {  	s9 =	sshrl.u32 s5, $0x1;
	s7 =	smul.u32 $0x500, s7;
	s8 =	sadd.s32 s6, s8  }
0x9: {  	_ =	strace $0x80000047;
	s9 =	ssub.s32 s5, s9;
	s8 =	sshrl.u32 s8, $0x3  }
0xa: {  	s7 =	sadd.s32 s7, s4;
	s8 =	sadd.s32 s8, s4;
	s4 =	sadd.s32 s6, s2  }
0xb: {  	s5 =	sadd.s32 $0x2A00, s7;
	s6 =	sadd.s32 $0xCA00, s8;
	s7 =	smax.u32 s9, $0x1  }
0xc: {  	v0 =	vimm.f32 $1.000000000e+00;
	v1 =	vimm.f32 $0.0e+00;
	s8 =	simm.s32 $0x2880;
	s9 =	simm.s32 $0x1;
	s13 =	sshrl.u32 s4, $0x3  }
.LBB2_1:
0xd: {  	[tilespmem:$0x2800] =	vst v0  }
0xe: {  	[tilespmem:$0x2810] =	vst v0  }
0xf: {  	[tilespmem:$0x2820] =	vst v0  }
0x10: {  	[tilespmem:$0x2830] =	vst v0  }
0x11: {  	[tilespmem:$0x2840] =	vst v0  }
0x12: {  	[tilespmem:$0x2850] =	vst v0  }
0x13: {  	[tilespmem:$0x2860] =	vst v0  }
0x14: {  	[tilespmem:$0x2870] =	vst v0  }
0x15: {  	[tilespmem:$0x2880] =	vst v1  }
0x16: {  	[tilespmem:$0x2890] =	vst v1  }
0x17: {  	[tilespmem:$0x28A0] =	vst v1  }
0x18: {  	[tilespmem:$0x28B0] =	vst v1  }
0x19: {  	[tilespmem:$0x28C0] =	vst v1  }
0x1a: {  	[tilespmem:$0x28D0] =	vst v1  }
0x1b: {  	[tilespmem:$0x28E0] =	vst v1  }
0x1c: {  	[tilespmem:$0x28F0] =	vst v1  }
0x1d: {  	[tilespmem:$0x2900] =	vst v1  }
0x1e: {  	[tilespmem:$0x2910] =	vst v1  }
0x1f: {  	[tilespmem:$0x2920] =	vst v1  }
0x20: {  	[tilespmem:$0x2930] =	vst v1  }
0x21: {  	[tilespmem:$0x2940] =	vst v1  }
0x22: {  	[tilespmem:$0x2950] =	vst v1  }
0x23: {  	[tilespmem:$0x2960] =	vst v1  }
0x24: {  	[tilespmem:$0x2970] =	vst v1  }
0x25: {  	[tilespmem:$0x2980] =	vst v1  }
0x26: {  	[tilespmem:$0x2990] =	vst v1  }
0x27: {  	[tilespmem:$0x29A0] =	vst v1  }
0x28: {  	[tilespmem:$0x29B0] =	vst v1  }
0x29: {  	[tilespmem:$0x29C0] =	vst v1  }
0x2a: {  	[tilespmem:$0x29D0] =	vst v1  }
0x2b: {  	[tilespmem:$0x29E0] =	vst v1  }
0x2c: {  	[tilespmem:$0x29F0] =	vst v1  }
0x2d: {  	[tilespmem:$0x2A00] =	vst v1  }
0x2e: {  	[tilespmem:$0x2A10] =	vst v1  }
0x2f: {  	[tilespmem:$0x2A20] =	vst v1  }
0x30: {  	[tilespmem:$0x2A30] =	vst v1  }
0x31: {  	[tilespmem:$0x2A40] =	vst v1  }
0x32: {  	[tilespmem:$0x2A50] =	vst v1  }
0x33: {  	[tilespmem:$0x2A60] =	vst v1  }
0x34: {  	[tilespmem:$0x2A70] =	vst v1  }
0x35: {  	[tilespmem:$0x2A80] =	vst v1  }
0x36: {  	[tilespmem:$0x2A90] =	vst v1  }
0x37: {  	[tilespmem:$0x2AA0] =	vst v1  }
0x38: {  	[tilespmem:$0x2AB0] =	vst v1  }
0x39: {  	[tilespmem:$0x2AC0] =	vst v1  }
0x3a: {  	[tilespmem:$0x2AD0] =	vst v1  }
0x3b: {  	[tilespmem:$0x2AE0] =	vst v1  }
0x3c: {  	[tilespmem:$0x2AF0] =	vst v1  }
0x3d: {  	[spmem:s4] =	stream.linear.scatter [tilespmem:s8], [sflag:$0x1], $0x280, $0x38;
	[tilespmem:$0x2D80] =	vst v63  }
0x3e: {  	_ =	swait.ge [sflag:s9], $0x280  }
0x3f: {  	[sflag:s9] =	ssyncset.done $0x0  }
0x40: {  	[sflag:s9] =	ssyncadd.s32 $0xFFFFFD80  }
0x41: {  	[tilespmem:s3], [sflag:$0x1] =	stream.linear.gather [hbm4b:s5+s3], $0x2800, $0x38;
	[tilespmem:$0x2D80] =	vst v63  }
0x42: {  	_ =	swait.ge [sflag:s9], $0x2800  }
0x43: {  	[sflag:s9] =	ssyncset.done $0x0  }
0x44: {  	[sflag:s9] =	ssyncadd.s32 $0xFFFFD800  }
0x45: {  	s15 =	simm.s32 $0x0;
	[bflag:$0x0] =	sbarrier.arrive $0xFFFF  }
0x46: {  	[spmem:s2] =	stream.indirect.scatter.add.f32 [tilespmem:s11], [sflag:$0x1], $0x1, s15, s10, $0xb8;
	[tilespmem:$0x2D80] =	vst v63  }
0x47: {  	_ =	swait.ge [sflag:s9], $0x7D  }
0x48: {  	s15 =	simm.s32 $0x200;
	[sflag:s9] =	ssyncset.done $0x0  }
.LBB2_2:
0x49: {  	s16 =	sshra.s32 s15, $0x2;
	[sflag:s9] =	ssyncadd.s32 $0xFFFFFF83;
	p0 =	sne.s32 s15, $0x9E00  }
0x4a: {  	[spmem:s2] =	stream.indirect.scatter.add.f32 [tilespmem:s11], [sflag:$0x1], $0x1, s16, s10, $0xb8;
	[tilespmem:$0x2D80] =	vst v63  }
.Ltmp0:
0x4b: {  	_ = 	snop;
	(pc) =	sbr.rel @p0 .LBB2_2-.Ltmp0, $4  }
0x4c: {  	_ = 	snop  }
0x4d: {  	s15 =	sadd.s32 $0x200, s15  }
0x4e: {  	_ =	swait.ge [sflag:s9], $0x7D  }
0x4f: {  	[sflag:s9] =	ssyncset.done $0x0  }
0x50: {  	s14 =	sadd.s32 $0x1, s14  }
0x51: {  	[sflag:s9] =	ssyncadd.s32 $0xFFFFFF83;
	p0 =	sne.s32 s14, s7  }
.Ltmp1:
0x52: {  	[bflag:$0x0] =	sbarrier.arrive $0xFFFF;
	(pc) =	sbr.rel @p0 .LBB2_1-.Ltmp1, $4  }
0x53: {  	[hbm:s6], [sflag:s12] =	dma.local [spmem:s13], $0x50  }
0x54: {  	_ =	swait.ge [sflag:s9], $0x50  }
0x55: {  	[sflag:s9] =	ssyncset.done $0x0  }
0x56: {  	[sflag:s9] =	ssyncadd.s32 $0xFFFFFFB0  }
0x57: {  	_ =	sfence.sel $0x180000  }
0x58: {  	[bflag:$0x0] =	sbarrier.arrive $0xFFFF  }
0x59: {  	p0 =	sne.s32 s1, $0x0;
	_ =	strace $0x90000047  }
0x5a: {  	s0 =	sadd.s32 @!p0 $0x100000, s0;
	[bflag:$0x2] =	sbarrier.arrive $0xFFFF  }
0x5b: {  	[sflag:s0] =	ssyncadd.tile.s32 @!p0 $0x1;
	_ =	shalt  }
.Lfunc_end2:
_tile_overlayer_lowered:
.L_overlay_start_2:
0x5c: {  	(tag) =	ssettag $0x2  }
0x5d: {  	s0 =	rddreg [dreg:$0x0];
	s2 =	stileid.u32  }
0x5e: {  	s1 =	rddreg [dreg:$0x1];
	p0 =	sne.s32 s2, $0x0  }
0x5f: {  	s3 =	rddreg [dreg:$0x2];
	[bflag:$0x3] =	sbarrier.arrive $0xFFFF;
	s2 =	simm.s32 @!p0 $0x1C01  }
0x60: {  	[timem:s3], [sflag:s2] =	dma.local @!p0 [hbm:s0], s1  }
0x61: {  	s0 =	simm.s32 @!p0 $0x1  }
0x62: {  	_ =	swait.ge @!p0 [sflag:s0], s1  }
0x63: {  	s1 =	ssub.s32 @!p0 $0x0, s1;
	[sflag:s0] =	ssyncset.done @!p0 $0x0  }
0x64: {  	[sflag:s0] =	ssyncadd.s32 @!p0 s1  }
0x65: {  	[bflag:$0x3] =	sbarrier.arrive $0xFFFF  }
0x66: {  	_ =	shalt  }

// kernel: kernel.9.cloned.1.call-start
scs
__scs_entry_jumppad:
0x0: {  	(pc) =	sbr.rel $0x88, $3  }
0x1: {  	(tag) =	ssettag $0x0;
	lr =	simm.s32 $0x1  }
0x2: {  	[smem:$0x3F8D] =	sst lr;
	_ =	strace $0xD0000000  }
0x3: {  	_ = 	snop  }
0x4: {  	_ = 	snop  }
0x5: {  	_ = 	snop  }
0x6: {  	_ = 	snop  }
0x7: {  	_ = 	snop  }
__scs_overlays_trampoline_lowered:
0x8: {  	[smem:$0x3F9C] =	sst s0  }
0x9: {  	[smem:$0x3F9D] =	sst s1  }
0xa: {  	[smem:$0x3F9E] =	sst s2  }
0xb: {  	[smem:$0x3F9F] =	sst s3  }
0xc: {  	[smem:$0x3FA0] =	sst s4  }
0xd: {  	[smem:$0x3FA1] =	sst s5  }
0xe: {  	[smem:$0x3FA2] =	sst s6  }
0xf: {  	[smem:$0x3FA3] =	sst s7  }
0x10: {  	[smem:$0x3FA4] =	sst s8  }
0x11: {  	[smem:$0x3FA5] =	sst s9;
	s0 =	simm.s32 @!p0 $0x0  }
0x12: {  	s1 =	sld [smem:$0x3F8B];
	s0 =	simm.s32 @p0 $0x1  }
0x13: {  	[smem:$0x3FA6] =	sst s0;
	s0 =	simm.s32 @!p1 $0x0  }
0x14: {  	s2 =	sld [smem:$0x3F8A];
	s0 =	simm.s32 @p1 $0x1  }
0x15: {  	[smem:$0x3FA7] =	sst s0;
	s0 =	simm.s32 @!p2 $0x0  }
0x16: {  	s3 =	sld [smem:$0x3FDB];
	s0 =	simm.s32 @p2 $0x1  }
0x17: {  	s4 =	simm.s32 $0x1BF5;
	[smem:$0x3FA9] =	sst s0  }
0x18: {  	s0 =	sld [smem:$0x3F8C];
	_ =	swait.ge [sflag:s4], $0x0  }
0x19: {  	s7 =	sld [smem:$0x3F8D]  }
0x1a: {  	s8 =	sadd.s32 $0xFFFFE003, lr  }
0x1b: {  	s9 =	sadd.s32 $0xFFFFFEF7, lr;
	s5 =	simm.s32 $0xFFFFFFFF;
	p2 =	slt.u32 s8, $0xFFFFF086  }
0x1c: {  	p1 =	slt.u32 s9, $0xF7A;
	s5 =	simm.s32 @!p2 $0x0  }
0x1d: {  	s5 =	simm.s32 @p1 $0x1;
	p0 =	seq.s32 s7, s2  }
0x1e: {  	s7 =	smul.u32 @!p0 $0xF7A, s2;
	p2 =	seq.s32 @!p0 s5, $0x0  }
0x1f: {  	s9 =	smul.u32 $0xF7A, s1;
	s8 =	simm.s32 @!p0 $0x1BF5;
	p2 =	por !p2, p0  }
0x20: {  	[sflag:s8] =	ssyncset.s32 @!p0 $0xFFFFF086;
	s6 =	sadd.s32 @!p0 s3, s7;
	s7 =	simm.s32 @!p0 $0x108  }
0x21: {  	s3 =	sadd.s32 s3, s9;
	s6 =	sadd.s32 @!p0 $0x88, s6;
	s7 =	simm.s32 @p2 $0x1082  }
0x22: {  	[simem:s7], [sflag:s8] =	dma.local @!p0 [hbm:s6], $0xF7A  }
0x23: {  	s9 =	sor.u32 $0xD0000000, s2;
	s6 =	simm.s32 $0x108;
	_ =	swait.ge @!p0 [sflag:s8], $0x0  }
0x24: {  	s3 =	sadd.s32 $0x88, s3;
	s6 =	simm.s32 @!p1 $0x1082;
	[sflag:s4] =	ssyncset.s32 $0xFFFFF086  }
0x25: {  	[simem:s6], [sflag:s4] =	dma.local [hbm:s3], $0xF7A  }
0x26: {  	[smem:$0x3F8D] =	sst s1;
	(tag) =	ssettag s2;
	_ =	strace s9  }
0x27: {  	s1 =	sld [smem:$0x3F9D]  }
0x28: {  	s2 =	sld [smem:$0x3F9E]  }
0x29: {  	s4 =	sld [smem:$0x3FA0]  }
0x2a: {  	p0 =	seq.s32 s5, $0x0;
	s5 =	sld [smem:$0x3FA1]  }
0x2b: {  	s6 =	sld [smem:$0x3FA2]  }
0x2c: {  	s7 =	sld [smem:$0x3FA3]  }
0x2d: {  	s3 =	simm.s32 $0x108;
	s8 =	sld [smem:$0x3FA4]  }
0x2e: {  	s3 =	simm.s32 @!p0 $0x1082;
	s9 =	sld [smem:$0x3FA5]  }
0x2f: {  	lr =	sadd.s32 s0, s3;
	s0 =	sld [smem:$0x3F9C]  }
0x30: {  	s3 =	sld [smem:$0x3F9F]  }
0x31: {  	[smem:$0x3FA8] =	sst s10  }
0x32: {  	s10 =	sld [smem:$0x3FA6];
	_ =	sdelay $0x3  }
0x33: {  	p0 =	seq.s32 s10, $0x1;
	s10 =	sld [smem:$0x3FA8];
	_ =	sdelay $0x3  }
0x34: {  	[smem:$0x3FA8] =	sst s10  }
0x35: {  	s10 =	sld [smem:$0x3FA7];
	_ =	sdelay $0x3  }
0x36: {  	p1 =	seq.s32 s10, $0x1;
	s10 =	sld [smem:$0x3FA8];
	_ =	sdelay $0x3  }
0x37: {  	[smem:$0x3FA8] =	sst s10  }
0x38: {  	s10 =	sld [smem:$0x3FA9]  }
0x39: {  	_ = 	snop;
	(pc) =	sbr.ind lr, $3  }
0x3a: {  	_ = 	snop  }
0x3b: {  	_ = 	snop  }
0x3c: {  	p2 =	seq.s32 s10, $0x1;
	s10 =	sld [smem:$0x3FA8]  }
0x3d: {  	_ =	shalt  }
0x3e: {  	_ =	shalt  }
0x3f: {  	_ =	shalt  }
0x40: {  	_ =	shalt  }
0x41: {  	_ =	shalt  }
0x42: {  	_ =	shalt  }
0x43: {  	_ =	shalt  }
0x44: {  	_ =	shalt  }
0x45: {  	_ =	shalt  }
0x46: {  	_ =	shalt  }
0x47: {  	_ =	shalt  }
0x48: {  	_ =	shalt  }
0x49: {  	_ =	shalt  }
0x4a: {  	_ =	shalt  }
0x4b: {  	_ =	shalt  }
0x4c: {  	_ =	shalt  }
0x4d: {  	_ =	shalt  }
0x4e: {  	_ =	shalt  }
0x4f: {  	_ =	shalt  }
0x50: {  	_ =	shalt  }
0x51: {  	_ =	shalt  }
0x52: {  	_ =	shalt  }
0x53: {  	_ =	shalt  }
0x54: {  	_ =	shalt  }
0x55: {  	_ =	shalt  }
0x56: {  	_ =	shalt  }
0x57: {  	_ =	shalt  }
0x58: {  	_ =	shalt  }
0x59: {  	_ =	shalt  }
0x5a: {  	_ =	shalt  }
0x5b: {  	_ =	shalt  }
0x5c: {  	_ =	shalt  }
0x5d: {  	_ =	shalt  }
0x5e: {  	_ =	shalt  }
0x5f: {  	_ =	shalt  }
0x60: {  	_ =	shalt  }
0x61: {  	_ =	shalt  }
0x62: {  	_ =	shalt  }
0x63: {  	_ =	shalt  }
0x64: {  	_ =	shalt  }
0x65: {  	_ =	shalt  }
0x66: {  	_ =	shalt  }
0x67: {  	_ =	shalt  }
0x68: {  	_ =	shalt  }
0x69: {  	_ =	shalt  }
0x6a: {  	_ =	shalt  }
0x6b: {  	_ =	shalt  }
0x6c: {  	_ =	shalt  }
0x6d: {  	_ =	shalt  }
0x6e: {  	_ =	shalt  }
0x6f: {  	_ =	shalt  }
0x70: {  	_ =	shalt  }
0x71: {  	_ =	shalt  }
0x72: {  	_ =	shalt  }
0x73: {  	_ =	shalt  }
0x74: {  	_ =	shalt  }
0x75: {  	_ =	shalt  }
0x76: {  	_ =	shalt  }
0x77: {  	_ =	shalt  }
0x78: {  	_ =	shalt  }
0x79: {  	_ =	shalt  }
0x7a: {  	_ =	shalt  }
0x7b: {  	_ =	shalt  }
0x7c: {  	_ =	shalt  }
0x7d: {  	_ =	shalt  }
0x7e: {  	_ =	shalt  }
0x7f: {  	_ =	shalt  }
0x80: {  	_ =	shalt  }
0x81: {  	_ =	shalt  }
0x82: {  	_ =	shalt  }
0x83: {  	_ =	shalt  }
0x84: {  	_ =	shalt  }
0x85: {  	_ =	shalt  }
0x86: {  	_ =	shalt  }
0x87: {  	_ =	shalt  }
.Lfunc_end0:
.L_simem_size_0:
called_computation.1_lowered:
.L_overlay_start_0:
0x88: {  	s2 =	sld [smem:$0x3FD9]  }
0x89: {  	s3 =	sld [smem:$0x3FFE];
	_ =	sdelay $0x1  }
0x8a: {  	s1 =	srdreg.scid  }
0x8b: {  	s0 =	sand.u32 $0x1, s1  }
0x8c: {  	s16 =	sshll.u32 s0, $0xA;
	s2 =	sadd.s32 s3, s2  }
0x8d: {  	s2 =	sadd.s32 s2, s16  }
0x8e: {  	[smem:$0x3FB4] =	sst s2  }
0x8f: {  	_ = 	snop  }
0x90: {  	(tm) =	ssettm $0x1  }
0x91: {  	s17 =	sld [smem:$0x3FFB];
	_ =	sdelay $0x3  }
0x92: {  	_ =	strace s17  }
0x93: {  	s2 =	sld [smem:$0x3FFC];
	_ =	sdelay $0x3  }
0x94: {  	_ =	strace s2  }
0x95: {  	s2 =	sld [smem:$0x3FFD];
	_ =	sdelay $0x3  }
0x96: {  	_ =	strace s2  }
0x97: {  	_ =	strace $0x8FFFFFFF  }
0x98: {  	s18 =	sld [smem:$0x3FDB];
	_ =	sdelay $0x1  }
0x99: {  	s19 =	simm.s32 $_scs_section_size  }
0x9a: {  	s4 =	simm.s32 $_size__tile_overlayer_lowered;
	s5 =	simm.s32 $_tile_overlayer_lowered  }
0x9b: {  	s22 =	simm.s32 $0x1BFF;
	s21 =	sshll.u32 s5, $0x1;
	s2 =	sadd.s32 s19, s18  }
0x9c: {  	s6 =	simm.s32 $0x0;
	s20 =	sshll.u32 s4, $0x1;
	s4 =	sadd.s32 s21, s2  }
0x9d: {  	[timem:s6], [sflag:s22] =	dma.local [hbm:s4], s20  }
0x9e: {  	_ =	swait.ge [sflag:s22], s20  }
0x9f: {  	s3 =	ssub.s32 $0x0, s20;
	[sflag:s22] =	ssyncset.done $0x0  }
0xa0: {  	[sflag:s22] =	ssyncadd.s32 s3;
	_ =	sdelay $0x1  }
0xa1: {  	s23 =	simm.s32 $0x1B8B  }
0xa2: {  	_ =	swait.ge [sflag:s23], $0x1  }
0xa3: {  	[sflag:s23] =	ssyncset.done $0x0  }
0xa4: {  	s25 =	simm.s32 $0x1B8E;
	s24 =	sld [smem:$0x3FFE];
	[sflag:s23] =	ssyncadd.s32 $0xFFFFFFFF  }
0xa5: {  	s26 =	simm.s32 $execute0_lowered;
	[smem:$0x3FD2] =	sst s25  }
0xa6: {  	s4 =	sshll.u32 s26, $0x1;
	_ =	strace $0x80000049;
	[dreg:$0x1] =	wrdreg $0xFFFFFFFF  }
0xa7: {  	s28 =	simm.s32 $_size_execute0_lowered;
	s2 =	sadd.s32 s2, s4;
	[dreg:$0x0] =	wrdreg $0x0  }
0xa8: {  	s4 =	sshll.u32 s28, $0x1;
	[dreg:$0x2] =	wrdreg s2  }
0xa9: {  	[dreg:$0x3] =	wrdreg s4  }
0xaa: {  	[dreg:$0x4] =	wrdreg $0xC0  }
0xab: {  	_ =	task [dreg:s6], $0x5FFFF  }
0xac: {  	[dreg:$0x1] =	wrdreg $0xFFFFFFFF  }
0xad: {  	[dreg:$0x0] =	wrdreg $0x60  }
0xae: {  	[dreg:$0x2] =	wrdreg s24  }
0xaf: {  	[dreg:$0x3] =	wrdreg $0x91000  }
0xb0: {  	[dreg:$0x4] =	wrdreg $0x9  }
0xb1: {  	_ =	task.clear_ibuf [dreg:s6], $0x5FFFF;
	_ =	strace $0x90000049  }
0xb2: {  	s29 =	simm.s32 $0x9;
	_ =	strace $0x8000004B  }
0xb3: {  	_ =	swait.ge [sflag:s29], $0x1  }
0xb4: {  	[sflag:s29] =	ssyncadd.s32 $0xFFFFFFFF  }
0xb5: {  	_ =	strace $0x9000004B  }
0xb6: {  	_ =	sfence  }
0xb7: {  	s30 =	sld [smem:$0x0];
	_ =	sdelay $0x2  }
0xb8: {  	s31 =	sshll.u32 s1, $0xD;
	s1 =	sshrl.u32 s1, $0x2  }
0xb9: {  	s3 =	sand.u32 $0x4000, s31;
	s1 =	sadd.s32 s1, s30  }
0xba: {  	s0 =	sor.u32 s3, s0;
	s1 =	sshll.u32 s1, $0x11  }
0xbb: {  	s0 =	sor.u32 s1, s0  }
0xbc: {  	s0 =	sadd.s32 $0x8F2B, s0  }
0xbd: {  	[sflag:s0] =	ssyncadd.remote.s32 $0x1  }
0xbe: {  	_ =	sfence.sel $0xFFFF  }
0xbf: {  	[dreg:$0x0] =	wrdreg $0xFFFFFFFF;
	(pc) =	sbr.abs _section_cstart, $3  }
0xc0: {  	[dreg:$0x1] =	wrdreg $0xFFFFFFFF  }
0xc1: {  	_ =	task.clear_ibuf [dreg:s6], $0x2FFFF;
	_ =	strace $0x9FFFFFFF  }
0xc2: {  	(tm) =	ssettm $0x7FFFFFFF  }
0xc3: {  	_ =	shalt  }
tec
execute0_lowered:
.L_overlay_start_1:
0x0: {  	(tag) =	ssettag $0x1  }
0x1: {  	s0 =	rddreg [dreg:$0x0]  }
0x2: {  	s1 =	rddreg [dreg:$0x1];
	s2 =	simm.s32 $0x0;
	s3 =	srdreg.scid  }
0x3: {  	s9 =	stileid.u32;
	s21 =	simm.s32 $0x80;
	s22 =	simm.s32 $0x100  }
0x4: {  	s23 =	simm.s32 $0xA80;
	s24 =	simm.s32 $0x180;
	s25 =	simm.s32 $0xB00  }
0x5: {  	s26 =	simm.s32 $0x200;
	s28 =	simm.s32 $0x1000;
	[smem:$0x7FF] =	sst s2  }
0x6: {  	s29 =	simm.s32 $0x700;
	_ =	strace $0x8000004A;
	[dreg:$0x5] =	wrdreg s21  }
0x7: {  	s30 =	simm.s32 $0x1080;
	s5 =	smul.u32 $0xA00, s9;
	[dreg:$0x6] =	wrdreg s22  }
0x8: {  	s31 =	simm.s32 $0x780;
	s7 =	smul.u32 $0x13880, s9;
	[dreg:$0x7] =	wrdreg s23  }
0x9: {  	s3 =	sand.u32 $0x1, s3;
	s9 =	smul.u32 $0x4E200, s9;
	[dreg:$0x8] =	wrdreg s24  }
0xa: {  	s4 =	smul.u32 $0x27100, s3;
	s6 =	ssub.s32 $0x2, s3;
	[dreg:$0x9] =	wrdreg s25  }
0xb: {  	s3 =	smul.u32 $0x138800, s3;
	[dreg:$0xa] =	wrdreg s26;
	s21 =	simm.s32 $0x480  }
0xc: {  	s22 =	simm.s32 $0xE00;
	s23 =	simm.s32 $0x500;
	s24 =	simm.s32 $0xE80  }
0xd: {  	s25 =	simm.s32 $0x580;
	s26 =	simm.s32 $0xF00;
	[dreg:$0x14] =	wrdreg s21  }
0xe: {  	s5 =	sadd.s32 s5, s0;
	s8 =	sshrl.u32 s6, $0x1;
	[dreg:$0x15] =	wrdreg s22  }
0xf: {  	s11 =	sadd.s32 s7, s1;
	s12 =	sshrl.u32 s9, $0x2;
	[dreg:$0x16] =	wrdreg s23  }
0x10: {  	s14 =	sadd.s32 $0x3E80, s7;
	s16 =	sadd.s32 $0x7D00, s7;
	[dreg:$0x17] =	wrdreg s24  }
0x11: {  	s17 =	sadd.s32 $0xBB80, s7;
	s21 =	simm.s32 $0x5280;
	[dreg:$0x18] =	wrdreg s25  }
0x12: {  	s22 =	simm.s32 $0x1;
	s23 =	simm.s32 $0x2;
	[dreg:$0x19] =	wrdreg s26  }
0x13: {  	s24 =	simm.s32 $0x600;
	s25 =	simm.s32 $0xF80;
	s26 =	simm.s32 $0x680  }
0x14: {  	s9 =	simm.s32 $0x0;
	[dreg:$0x1a] =	wrdreg s11;
	s13 =	sadd.s32 s12, s1  }
0x15: {  	s4 =	sadd.s32 s4, s0;
	s15 =	sadd.s32 s14, s1;
	[dreg:$0x1c] =	wrdreg s13  }
0x16: {  	s0 =	sadd.s32 $0x96800, s0;
	s10 =	sadd.s32 s16, s1;
	[dreg:$0x1d] =	wrdreg s15  }
0x17: {  	s6 =	ssub.s32 s6, s8;
	s18 =	sadd.s32 s17, s1;
	[dreg:$0x1e] =	wrdreg s10  }
0x18: {  	s19 =	sadd.s32 $0xD400, s5;
	s11 =	sadd.s32 $0xFA00, s7;
	[dreg:$0x1f] =	wrdreg s18  }
0x19: {  	s5 =	sadd.s32 $0x17400, s5;
	s7 =	sadd.s32 s3, s7;
	[dreg:$0x3] =	wrdreg s19  }
0x1a: {  	s12 =	simm.s32 $0x280;
	s4 =	sadd.s32 $0x48600, s4;
	[dreg:$0x4] =	wrdreg s5  }
0x1b: {  	s6 =	smax.u32 s6, $0x1;
	s20 =	sadd.s32 s11, s1;
	[dreg:$0xc] =	wrdreg s12  }
0x1c: {  	s7 =	sshrl.u32 s7, $0x3;
	s10 =	sadd.s32 s3, s16;
	[dreg:$0x1b] =	wrdreg s6  }
0x1d: {  	s13 =	simm.s32 $0xC00;
	s15 =	sadd.s32 s3, s17;
	[smem:$0x7F8] =	sst s20  }
0x1e: {  	s16 =	simm.s32 $0xC80;
	s17 =	simm.s32 $0x380;
	[dreg:$0xd] =	wrdreg s13  }
0x1f: {  	s18 =	simm.s32 $0xD00;
	s19 =	simm.s32 $0x400;
	[dreg:$0xf] =	wrdreg s16  }
0x20: {  	s5 =	simm.s32 $0x1180;
	s12 =	simm.s32 $0x900;
	[dreg:$0x10] =	wrdreg s17  }
0x21: {  	s7 =	sadd.s32 s0, s7;
	s6 =	sadd.s32 s3, s14;
	[dreg:$0x11] =	wrdreg s18  }
0x22: {  	s14 =	simm.s32 $0x300;
	s3 =	sadd.s32 s3, s11;
	[dreg:$0x12] =	wrdreg s19  }
0x23: {  	s20 =	simm.s32 $0xD80;
	s17 =	simm.s32 $0x1400;
	s18 =	simm.s32 $0x3  }
0x24: {  	s19 =	simm.s32 $0xA00;
	s13 =	simm.s32 $0x1280;
	[smem:$0x7F9] =	sst s7  }
0x25: {  	s16 =	simm.s32 $0x1380;
	s6 =	sshrl.u32 s6, $0x3;
	[dreg:$0xe] =	wrdreg s14  }
0x26: {  	s7 =	simm.s32 $0xB80;
	[dreg:$0x13] =	wrdreg s20;
	s6 =	sadd.s32 s0, s6  }
0x27: {  	s3 =	sshrl.u32 s3, $0x3;
	[smem:$0x7FA] =	sst s6;
	s6 =	sshrl.u32 s10, $0x3  }
0x28: {  	s20 =	simm.s32 $0x7D;
	[dreg:$0xb] =	wrdreg s7;
	s6 =	sadd.s32 s0, s6  }
0x29: {  	s14 =	simm.s32 $0x980;
	[smem:$0x7FB] =	sst s6;
	s6 =	sshrl.u32 s15, $0x3  }
0x2a: {  	s7 =	simm.s32 $0x1200;
	s15 =	simm.s32 $0x1300;
	s6 =	sadd.s32 s0, s6  }
0x2b: {  	s0 =	sadd.s32 s0, s3;
	s3 =	simm.s32 $0x800;
	[smem:$0x7FC] =	sst s6  }
0x2c: {  	v0 =	vimm.f32 $0.0e+00;
	[smem:$0x7FD] =	sst s0;
	s0 =	simm.s32 $0x1100;
	s6 =	simm.s32 $0x880  }
.LBB2_1:
0x2d: {  	[smem:$0x7F7] =	sst s9;
	s9 =	simm.s32 $0x70;
	s10 =	simm.s32 $0x3C0  }
.LBB2_2:
0x2e: {  	p0 =	sne.s32 s10, $0xF9C0;
	[tilespmem:s9+$0x1400] =	vst v0  }
0x2f: {  	[tilespmem:s9+$0x1390] =	vst v0  }
0x30: {  	[tilespmem:s9+$0x13A0] =	vst v0  }
.Ltmp0:
0x31: {  	[tilespmem:s9+$0x13B0] =	vst v0;
	(pc) =	sbr.rel @p0 .LBB2_2-.Ltmp0, $4  }
0x32: {  	[tilespmem:s9+$0x13C0] =	vst v0  }
0x33: {  	[tilespmem:s9+$0x13D0] =	vst v0  }
0x34: {  	[tilespmem:s9+$0x13E0] =	vst v0  }
0x35: {  	[tilespmem:s9+$0x13F0] =	vst v0;
	s9 =	sshra.s32 s10, $0x2;
	s10 =	sadd.s32 $0x200, s10  }
0x36: {  	[tilespmem:s9+$0x1400] =	vst v0  }
0x37: {  	[tilespmem:s9+$0x1390] =	vst v0  }
0x38: {  	[tilespmem:s9+$0x13A0] =	vst v0  }
0x39: {  	[tilespmem:s9+$0x13B0] =	vst v0  }
0x3a: {  	[tilespmem:s9+$0x13C0] =	vst v0  }
0x3b: {  	[tilespmem:s9+$0x13D0] =	vst v0  }
0x3c: {  	[tilespmem:s9+$0x13E0] =	vst v0  }
0x3d: {  	[tilespmem:s9+$0x13F0] =	vst v0;
	s8 =	rddreg [dreg:$0x1c]  }
0x3e: {  	[spmem:s8] =	stream.linear.scatter [tilespmem:s17], [sflag:$0x3], $0x3E80, $0x38;
	[tilespmem:$0x1C980] =	vst v63  }
0x3f: {  	_ =	swait.ge [sflag:s18], $0x3E80  }
0x40: {  	[sflag:s18] =	ssyncset.done $0x0  }
0x41: {  	s9 =	rddreg [dreg:$0x1d];
	[sflag:s18] =	ssyncadd.s32 $0xFFFFC180  }
0x42: {  	[spmem:s9] =	stream.linear.scatter [tilespmem:s17], [sflag:$0x3], $0x3E80, $0x38;
	[tilespmem:$0x1C980] =	vst v63  }
0x43: {  	_ =	swait.ge [sflag:s18], $0x3E80  }
0x44: {  	[sflag:s18] =	ssyncset.done $0x0  }
0x45: {  	s10 =	rddreg [dreg:$0x1e];
	[sflag:s18] =	ssyncadd.s32 $0xFFFFC180  }
0x46: {  	[spmem:s10] =	stream.linear.scatter [tilespmem:s17], [sflag:$0x3], $0x3E80, $0x38;
	[tilespmem:$0x1C980] =	vst v63  }
0x47: {  	_ =	swait.ge [sflag:s18], $0x3E80  }
0x48: {  	[sflag:s18] =	ssyncset.done $0x0  }
0x49: {  	s11 =	rddreg [dreg:$0x1f];
	[sflag:s18] =	ssyncadd.s32 $0xFFFFC180  }
0x4a: {  	[spmem:s11] =	stream.linear.scatter [tilespmem:s17], [sflag:$0x3], $0x3E80, $0x38;
	[tilespmem:$0x1C980] =	vst v63  }
0x4b: {  	_ =	swait.ge [sflag:s18], $0x3E80  }
0x4c: {  	s9 =	sld [smem:$0x7F8]  }
0x4d: {  	[sflag:s18] =	ssyncset.done $0x0  }
0x4e: {  	[sflag:s18] =	ssyncadd.s32 $0xFFFFC180  }
0x4f: {  	[spmem:s9] =	stream.linear.scatter [tilespmem:s17], [sflag:$0x3], $0x3E80, $0x38;
	[tilespmem:$0x1C980] =	vst v63  }
0x50: {  	_ =	swait.ge [sflag:s18], $0x3E80  }
0x51: {  	[sflag:s18] =	ssyncset.done $0x0  }
0x52: {  	[sflag:s18] =	ssyncadd.s32 $0xFFFFC180  }
0x53: {  	[bflag:$0x0] =	sbarrier.arrive $0xFFFF  }
0x54: {  	s10 =	rddreg [dreg:$0x4]  }
0x55: {  	s9 =	sadd.s32 $0x0, s10  }
0x56: {  	[tilespmem:s2], [sflag:$0x3] =	stream.linear.gather [hbm4b:s9+s2], $0xA00, $0x38;
	[tilespmem:$0x1C980] =	vst v63  }
0x57: {  	_ =	swait.ge [sflag:s18], $0xA00  }
0x58: {  	s11 =	rddreg [dreg:$0x3];
	[sflag:s18] =	ssyncset.done $0x0  }
0x59: {  	[sflag:s18] =	ssyncadd.s32 $0xFFFFF600;
	s9 =	sadd.s32 $0x0, s11  }
0x5a: {  	[tilespmem:s19], [sflag:$0x3] =	stream.linear.gather [hbm4b:s9+s2], $0xA00, $0x38;
	[tilespmem:$0x1C980] =	vst v63  }
0x5b: {  	_ =	swait.ge [sflag:s18], $0xA00  }
0x5c: {  	[sflag:s18] =	ssyncset.done $0x0  }
0x5d: {  	[sflag:s18] =	ssyncadd.s32 $0xFFFFF600  }
0x5e: {  	[tilespmem:s17], [sflag:$0x1] =	stream.indirect.gather [hbm4b:s4+s20], $0x80, s2, s20, $0xb8;
	[tilespmem:$0x1C980] =	vst v63  }
0x5f: {  	s8 =	rddreg [dreg:$0x5]  }
0x60: {  	[tilespmem:s21], [sflag:$0x2] =	stream.indirect.gather [hbm4b:s4+s20], $0x80, s8, s20, $0xb8;
	[tilespmem:$0x1C980] =	vst v63  }
0x61: {  	_ =	swait.ge [sflag:s22], $0x3E80  }
0x62: {  	[sflag:s22] =	ssyncset.done $0x0  }
0x63: {  	[sflag:s22] =	ssyncadd.s32 $0xFFFFC180  }
0x64: {  	[spmem:s1] =	stream.indirect.scatter.add.f32 [tilespmem:s17], [sflag:$0x3], $0x80, s19, s20, $0xb8;
	[tilespmem:$0x1C980] =	vst v63  }
0x65: {  	_ =	swait.ge [sflag:s18], $0x3E80  }
0x66: {  	[sflag:s18] =	ssyncset.done $0x0  }
0x67: {  	s10 =	rddreg [dreg:$0x6];
	[sflag:s18] =	ssyncadd.s32 $0xFFFFC180  }
0x68: {  	[tilespmem:s17], [sflag:$0x1] =	stream.indirect.gather [hbm4b:s4+s20], $0x80, s10, s20, $0xb8;
	[tilespmem:$0x1C980] =	vst v63  }
0x69: {  	_ =	swait.ge [sflag:s23], $0x3E80  }
0x6a: {  	[sflag:s23] =	ssyncset.done $0x0  }
0x6b: {  	s11 =	rddreg [dreg:$0x7];
	[sflag:s23] =	ssyncadd.s32 $0xFFFFC180  }
0x6c: {  	[spmem:s1] =	stream.indirect.scatter.add.f32 [tilespmem:s21], [sflag:$0x3], $0x80, s11, s20, $0xb8;
	[tilespmem:$0x1C980] =	vst v63  }
0x6d: {  	_ =	swait.ge [sflag:s18], $0x3E80  }
0x6e: {  	[sflag:s18] =	ssyncset.done $0x0  }
0x6f: {  	s8 =	rddreg [dreg:$0x8];
	[sflag:s18] =	ssyncadd.s32 $0xFFFFC180  }
0x70: {  	[tilespmem:s21], [sflag:$0x2] =	stream.indirect.gather [hbm4b:s4+s20], $0x80, s8, s20, $0xb8;
	[tilespmem:$0x1C980] =	vst v63  }
0x71: {  	_ =	swait.ge [sflag:s22], $0x3E80  }
0x72: {  	[sflag:s22] =	ssyncset.done $0x0  }
0x73: {  	s10 =	rddreg [dreg:$0x9];
	[sflag:s22] =	ssyncadd.s32 $0xFFFFC180  }
0x74: {  	[spmem:s1] =	stream.indirect.scatter.add.f32 [tilespmem:s17], [sflag:$0x3], $0x80, s10, s20, $0xb8;
	[tilespmem:$0x1C980] =	vst v63  }
0x75: {  	_ =	swait.ge [sflag:s18], $0x3E80  }
0x76: {  	[sflag:s18] =	ssyncset.done $0x0  }
0x77: {  	s11 =	rddreg [dreg:$0xa];
	[sflag:s18] =	ssyncadd.s32 $0xFFFFC180  }
0x78: {  	[tilespmem:s17], [sflag:$0x1] =	stream.indirect.gather [hbm4b:s4+s20], $0x80, s11, s20, $0xb8;
	[tilespmem:$0x1C980] =	vst v63  }
0x79: {  	_ =	swait.ge [sflag:s23], $0x3E80  }
0x7a: {  	[sflag:s23] =	ssyncset.done $0x0  }
0x7b: {  	s8 =	rddreg [dreg:$0xb];
	[sflag:s23] =	ssyncadd.s32 $0xFFFFC180  }
0x7c: {  	[spmem:s1] =	stream.indirect.scatter.add.f32 [tilespmem:s21], [sflag:$0x3], $0x80, s8, s20, $0xb8;
	[tilespmem:$0x1C980] =	vst v63  }
0x7d: {  	_ =	swait.ge [sflag:s18], $0x3E80  }
0x7e: {  	[sflag:s18] =	ssyncset.done $0x0  }
0x7f: {  	s10 =	rddreg [dreg:$0xc];
	[sflag:s18] =	ssyncadd.s32 $0xFFFFC180  }
0x80: {  	[tilespmem:s21], [sflag:$0x2] =	stream.indirect.gather [hbm4b:s4+s20], $0x80, s10, s20, $0xb8;
	[tilespmem:$0x1C980] =	vst v63  }
0x81: {  	_ =	swait.ge [sflag:s22], $0x3E80  }
0x82: {  	[sflag:s22] =	ssyncset.done $0x0  }
0x83: {  	s11 =	rddreg [dreg:$0xd];
	[sflag:s22] =	ssyncadd.s32 $0xFFFFC180  }
0x84: {  	[spmem:s1] =	stream.indirect.scatter.add.f32 [tilespmem:s17], [sflag:$0x3], $0x80, s11, s20, $0xb8;
	[tilespmem:$0x1C980] =	vst v63  }
0x85: {  	_ =	swait.ge [sflag:s18], $0x3E80  }
0x86: {  	[sflag:s18] =	ssyncset.done $0x0  }
0x87: {  	s8 =	rddreg [dreg:$0xe];
	[sflag:s18] =	ssyncadd.s32 $0xFFFFC180  }
0x88: {  	[tilespmem:s17], [sflag:$0x1] =	stream.indirect.gather [hbm4b:s4+s20], $0x80, s8, s20, $0xb8;
	[tilespmem:$0x1C980] =	vst v63  }
0x89: {  	_ =	swait.ge [sflag:s23], $0x3E80  }
0x8a: {  	[sflag:s23] =	ssyncset.done $0x0  }
0x8b: {  	s10 =	rddreg [dreg:$0xf];
	[sflag:s23] =	ssyncadd.s32 $0xFFFFC180  }
0x8c: {  	[spmem:s1] =	stream.indirect.scatter.add.f32 [tilespmem:s21], [sflag:$0x3], $0x80, s10, s20, $0xb8;
	[tilespmem:$0x1C980] =	vst v63  }
0x8d: {  	_ =	swait.ge [sflag:s18], $0x3E80  }
0x8e: {  	[sflag:s18] =	ssyncset.done $0x0  }
0x8f: {  	s11 =	rddreg [dreg:$0x10];
	[sflag:s18] =	ssyncadd.s32 $0xFFFFC180  }
0x90: {  	[tilespmem:s21], [sflag:$0x2] =	stream.indirect.gather [hbm4b:s4+s20], $0x80, s11, s20, $0xb8;
	[tilespmem:$0x1C980] =	vst v63  }
0x91: {  	_ =	swait.ge [sflag:s22], $0x3E80  }
0x92: {  	[sflag:s22] =	ssyncset.done $0x0  }
0x93: {  	s8 =	rddreg [dreg:$0x11];
	[sflag:s22] =	ssyncadd.s32 $0xFFFFC180  }
0x94: {  	[spmem:s1] =	stream.indirect.scatter.add.f32 [tilespmem:s17], [sflag:$0x3], $0x80, s8, s20, $0xb8;
	[tilespmem:$0x1C980] =	vst v63  }
0x95: {  	_ =	swait.ge [sflag:s18], $0x3E80  }
0x96: {  	[sflag:s18] =	ssyncset.done $0x0  }
0x97: {  	s10 =	rddreg [dreg:$0x12];
	[sflag:s18] =	ssyncadd.s32 $0xFFFFC180  }
0x98: {  	[tilespmem:s17], [sflag:$0x1] =	stream.indirect.gather [hbm4b:s4+s20], $0x80, s10, s20, $0xb8;
	[tilespmem:$0x1C980] =	vst v63  }
0x99: {  	_ =	swait.ge [sflag:s23], $0x3E80  }
0x9a: {  	[sflag:s23] =	ssyncset.done $0x0  }
0x9b: {  	s11 =	rddreg [dreg:$0x13];
	[sflag:s23] =	ssyncadd.s32 $0xFFFFC180  }
0x9c: {  	[spmem:s1] =	stream.indirect.scatter.add.f32 [tilespmem:s21], [sflag:$0x3], $0x80, s11, s20, $0xb8;
	[tilespmem:$0x1C980] =	vst v63  }
0x9d: {  	_ =	swait.ge [sflag:s18], $0x3E80  }
0x9e: {  	[sflag:s18] =	ssyncset.done $0x0  }
0x9f: {  	s8 =	rddreg [dreg:$0x14];
	[sflag:s18] =	ssyncadd.s32 $0xFFFFC180  }
0xa0: {  	[tilespmem:s21], [sflag:$0x2] =	stream.indirect.gather [hbm4b:s4+s20], $0x80, s8, s20, $0xb8;
	[tilespmem:$0x1C980] =	vst v63  }
0xa1: {  	_ =	swait.ge [sflag:s22], $0x3E80  }
0xa2: {  	[sflag:s22] =	ssyncset.done $0x0  }
0xa3: {  	s10 =	rddreg [dreg:$0x15];
	[sflag:s22] =	ssyncadd.s32 $0xFFFFC180  }
0xa4: {  	[spmem:s1] =	stream.indirect.scatter.add.f32 [tilespmem:s17], [sflag:$0x3], $0x80, s10, s20, $0xb8;
	[tilespmem:$0x1C980] =	vst v63  }
0xa5: {  	_ =	swait.ge [sflag:s18], $0x3E80  }
0xa6: {  	[sflag:s18] =	ssyncset.done $0x0  }
0xa7: {  	s11 =	rddreg [dreg:$0x16];
	[sflag:s18] =	ssyncadd.s32 $0xFFFFC180  }
0xa8: {  	[tilespmem:s17], [sflag:$0x1] =	stream.indirect.gather [hbm4b:s4+s20], $0x80, s11, s20, $0xb8;
	[tilespmem:$0x1C980] =	vst v63  }
0xa9: {  	_ =	swait.ge [sflag:s23], $0x3E80  }
0xaa: {  	[sflag:s23] =	ssyncset.done $0x0  }
0xab: {  	s8 =	rddreg [dreg:$0x17];
	[sflag:s23] =	ssyncadd.s32 $0xFFFFC180  }
0xac: {  	[spmem:s1] =	stream.indirect.scatter.add.f32 [tilespmem:s21], [sflag:$0x3], $0x80, s8, s20, $0xb8;
	[tilespmem:$0x1C980] =	vst v63  }
0xad: {  	_ =	swait.ge [sflag:s18], $0x3E80  }
0xae: {  	[sflag:s18] =	ssyncset.done $0x0  }
0xaf: {  	s10 =	rddreg [dreg:$0x18];
	[sflag:s18] =	ssyncadd.s32 $0xFFFFC180  }
0xb0: {  	[tilespmem:s21], [sflag:$0x2] =	stream.indirect.gather [hbm4b:s4+s20], $0x80, s10, s20, $0xb8;
	[tilespmem:$0x1C980] =	vst v63  }
0xb1: {  	_ =	swait.ge [sflag:s22], $0x3E80  }
0xb2: {  	[sflag:s22] =	ssyncset.done $0x0  }
0xb3: {  	s11 =	rddreg [dreg:$0x19];
	[sflag:s22] =	ssyncadd.s32 $0xFFFFC180  }
0xb4: {  	[spmem:s1] =	stream.indirect.scatter.add.f32 [tilespmem:s17], [sflag:$0x3], $0x80, s11, s20, $0xb8;
	[tilespmem:$0x1C980] =	vst v63  }
0xb5: {  	_ =	swait.ge [sflag:s18], $0x3E80  }
0xb6: {  	[sflag:s18] =	ssyncset.done $0x0  }
0xb7: {  	[sflag:s18] =	ssyncadd.s32 $0xFFFFC180  }
0xb8: {  	[tilespmem:s17], [sflag:$0x1] =	stream.indirect.gather [hbm4b:s4+s20], $0x80, s24, s20, $0xb8;
	[tilespmem:$0x1C980] =	vst v63  }
0xb9: {  	_ =	swait.ge [sflag:s23], $0x3E80  }
0xba: {  	[sflag:s23] =	ssyncset.done $0x0  }
0xbb: {  	[sflag:s23] =	ssyncadd.s32 $0xFFFFC180  }
0xbc: {  	[spmem:s1] =	stream.indirect.scatter.add.f32 [tilespmem:s21], [sflag:$0x3], $0x80, s25, s20, $0xb8;
	[tilespmem:$0x1C980] =	vst v63  }
0xbd: {  	_ =	swait.ge [sflag:s18], $0x3E80  }
0xbe: {  	[sflag:s18] =	ssyncset.done $0x0  }
0xbf: {  	[sflag:s18] =	ssyncadd.s32 $0xFFFFC180  }
0xc0: {  	[tilespmem:s21], [sflag:$0x2] =	stream.indirect.gather [hbm4b:s4+s20], $0x80, s26, s20, $0xb8;
	[tilespmem:$0x1C980] =	vst v63  }
0xc1: {  	_ =	swait.ge [sflag:s22], $0x3E80  }
0xc2: {  	[sflag:s22] =	ssyncset.done $0x0  }
0xc3: {  	[sflag:s22] =	ssyncadd.s32 $0xFFFFC180  }
0xc4: {  	[spmem:s1] =	stream.indirect.scatter.add.f32 [tilespmem:s17], [sflag:$0x3], $0x80, s28, s20, $0xb8;
	[tilespmem:$0x1C980] =	vst v63  }
0xc5: {  	_ =	swait.ge [sflag:s18], $0x3E80  }
0xc6: {  	[sflag:s18] =	ssyncset.done $0x0  }
0xc7: {  	[sflag:s18] =	ssyncadd.s32 $0xFFFFC180  }
0xc8: {  	[tilespmem:s17], [sflag:$0x1] =	stream.indirect.gather [hbm4b:s4+s20], $0x80, s29, s20, $0xb8;
	[tilespmem:$0x1C980] =	vst v63  }
0xc9: {  	_ =	swait.ge [sflag:s23], $0x3E80  }
0xca: {  	[sflag:s23] =	ssyncset.done $0x0  }
0xcb: {  	[sflag:s23] =	ssyncadd.s32 $0xFFFFC180  }
0xcc: {  	[spmem:s1] =	stream.indirect.scatter.add.f32 [tilespmem:s21], [sflag:$0x3], $0x80, s30, s20, $0xb8;
	[tilespmem:$0x1C980] =	vst v63  }
0xcd: {  	_ =	swait.ge [sflag:s18], $0x3E80  }
0xce: {  	[sflag:s18] =	ssyncset.done $0x0  }
0xcf: {  	[sflag:s18] =	ssyncadd.s32 $0xFFFFC180  }
0xd0: {  	[tilespmem:s21], [sflag:$0x2] =	stream.indirect.gather [hbm4b:s4+s20], $0x80, s31, s20, $0xb8;
	[tilespmem:$0x1C980] =	vst v63  }
0xd1: {  	_ =	swait.ge [sflag:s22], $0x3E80  }
0xd2: {  	[sflag:s22] =	ssyncset.done $0x0  }
0xd3: {  	[sflag:s22] =	ssyncadd.s32 $0xFFFFC180  }
0xd4: {  	[spmem:s1] =	stream.indirect.scatter.add.f32 [tilespmem:s17], [sflag:$0x3], $0x80, s0, s20, $0xb8;
	[tilespmem:$0x1C980] =	vst v63  }
0xd5: {  	_ =	swait.ge [sflag:s18], $0x3E80  }
0xd6: {  	[sflag:s18] =	ssyncset.done $0x0  }
0xd7: {  	[sflag:s18] =	ssyncadd.s32 $0xFFFFC180  }
0xd8: {  	[tilespmem:s17], [sflag:$0x1] =	stream.indirect.gather [hbm4b:s4+s20], $0x80, s3, s20, $0xb8;
	[tilespmem:$0x1C980] =	vst v63  }
0xd9: {  	_ =	swait.ge [sflag:s23], $0x3E80  }
0xda: {  	[sflag:s23] =	ssyncset.done $0x0  }
0xdb: {  	[sflag:s23] =	ssyncadd.s32 $0xFFFFC180  }
0xdc: {  	[spmem:s1] =	stream.indirect.scatter.add.f32 [tilespmem:s21], [sflag:$0x3], $0x80, s5, s20, $0xb8;
	[tilespmem:$0x1C980] =	vst v63  }
0xdd: {  	_ =	swait.ge [sflag:s18], $0x3E80  }
0xde: {  	[sflag:s18] =	ssyncset.done $0x0  }
0xdf: {  	[sflag:s18] =	ssyncadd.s32 $0xFFFFC180  }
0xe0: {  	[tilespmem:s21], [sflag:$0x2] =	stream.indirect.gather [hbm4b:s4+s20], $0x80, s6, s20, $0xb8;
	[tilespmem:$0x1C980] =	vst v63  }
0xe1: {  	_ =	swait.ge [sflag:s22], $0x3E80  }
0xe2: {  	[sflag:s22] =	ssyncset.done $0x0  }
0xe3: {  	[sflag:s22] =	ssyncadd.s32 $0xFFFFC180  }
0xe4: {  	[spmem:s1] =	stream.indirect.scatter.add.f32 [tilespmem:s17], [sflag:$0x3], $0x80, s7, s20, $0xb8;
	[tilespmem:$0x1C980] =	vst v63  }
0xe5: {  	_ =	swait.ge [sflag:s18], $0x3E80  }
0xe6: {  	[sflag:s18] =	ssyncset.done $0x0  }
0xe7: {  	[sflag:s18] =	ssyncadd.s32 $0xFFFFC180  }
0xe8: {  	[tilespmem:s17], [sflag:$0x1] =	stream.indirect.gather [hbm4b:s4+s20], $0x80, s12, s20, $0xb8;
	[tilespmem:$0x1C980] =	vst v63  }
0xe9: {  	_ =	swait.ge [sflag:s23], $0x3E80  }
0xea: {  	[sflag:s23] =	ssyncset.done $0x0  }
0xeb: {  	[sflag:s23] =	ssyncadd.s32 $0xFFFFC180  }
0xec: {  	[spmem:s1] =	stream.indirect.scatter.add.f32 [tilespmem:s21], [sflag:$0x3], $0x80, s13, s20, $0xb8;
	[tilespmem:$0x1C980] =	vst v63  }
0xed: {  	_ =	swait.ge [sflag:s18], $0x3E80  }
0xee: {  	[sflag:s18] =	ssyncset.done $0x0  }
0xef: {  	[sflag:s18] =	ssyncadd.s32 $0xFFFFC180  }
0xf0: {  	[tilespmem:s21], [sflag:$0x2] =	stream.indirect.gather [hbm4b:s4+s20], $0x80, s14, s20, $0xb8;
	[tilespmem:$0x1C980] =	vst v63  }
0xf1: {  	_ =	swait.ge [sflag:s22], $0x3E80  }
0xf2: {  	[sflag:s22] =	ssyncset.done $0x0  }
0xf3: {  	[sflag:s22] =	ssyncadd.s32 $0xFFFFC180  }
0xf4: {  	[spmem:s1] =	stream.indirect.scatter.add.f32 [tilespmem:s17], [sflag:$0x3], $0x80, s15, s20, $0xb8;
	[tilespmem:$0x1C980] =	vst v63  }
0xf5: {  	_ =	swait.ge [sflag:s18], $0x3E80  }
0xf6: {  	[sflag:s18] =	ssyncset.done $0x0  }
0xf7: {  	[sflag:s18] =	ssyncadd.s32 $0xFFFFC180  }
0xf8: {  	_ =	swait.ge [sflag:s23], $0x3E80  }
0xf9: {  	[sflag:s23] =	ssyncset.done $0x0  }
0xfa: {  	[sflag:s23] =	ssyncadd.s32 $0xFFFFC180  }
0xfb: {  	[spmem:s1] =	stream.indirect.scatter.add.f32 [tilespmem:s21], [sflag:$0x3], $0x80, s16, s20, $0xb8;
	[tilespmem:$0x1C980] =	vst v63  }
0xfc: {  	s9 =	simm.s32 $0x140;
	_ =	swait.ge [sflag:s18], $0x3E80  }
0xfd: {  	s10 =	simm.s32 $0x280;
	s11 =	rddreg [dreg:$0x4];
	[sflag:s18] =	ssyncset.done $0x0  }
.LBB2_4:
0xfe: {  	[sflag:s18] =	ssyncadd.s32 $0xFFFFC180;
	s11 =	sadd.s32 s9, s11  }
0xff: {  	[tilespmem:s2], [sflag:$0x3] =	stream.linear.gather [hbm4b:s11+s2], $0xA00, $0x38;
	[tilespmem:$0x1C980] =	vst v63  }
0x100: {  	_ =	swait.ge [sflag:s18], $0xA00  }
0x101: {  	s11 =	rddreg [dreg:$0x3];
	[sflag:s18] =	ssyncset.done $0x0  }
0x102: {  	[sflag:s18] =	ssyncadd.s32 $0xFFFFF600;
	s11 =	sadd.s32 s9, s11  }
0x103: {  	[tilespmem:s19], [sflag:$0x3] =	stream.linear.gather [hbm4b:s11+s2], $0xA00, $0x38;
	[tilespmem:$0x1C980] =	vst v63  }
0x104: {  	_ =	swait.ge [sflag:s18], $0xA00  }
0x105: {  	[sflag:s18] =	ssyncset.done $0x0  }
0x106: {  	[sflag:s18] =	ssyncadd.s32 $0xFFFFF600  }
0x107: {  	[tilespmem:s17], [sflag:$0x1] =	stream.indirect.gather [hbm4b:s4+s20], $0x80, s2, s20, $0xb8;
	[tilespmem:$0x1C980] =	vst v63  }
0x108: {  	s11 =	rddreg [dreg:$0x5]  }
0x109: {  	[tilespmem:s21], [sflag:$0x2] =	stream.indirect.gather [hbm4b:s4+s20], $0x80, s11, s20, $0xb8;
	[tilespmem:$0x1C980] =	vst v63  }
0x10a: {  	_ =	swait.ge [sflag:s22], $0x3E80  }
0x10b: {  	[sflag:s22] =	ssyncset.done $0x0  }
0x10c: {  	[sflag:s22] =	ssyncadd.s32 $0xFFFFC180  }
0x10d: {  	[spmem:s1] =	stream.indirect.scatter.add.f32 [tilespmem:s17], [sflag:$0x3], $0x80, s19, s20, $0xb8;
	[tilespmem:$0x1C980] =	vst v63  }
0x10e: {  	_ =	swait.ge [sflag:s18], $0x3E80  }
0x10f: {  	[sflag:s18] =	ssyncset.done $0x0  }
0x110: {  	s11 =	rddreg [dreg:$0x6];
	[sflag:s18] =	ssyncadd.s32 $0xFFFFC180  }
0x111: {  	[tilespmem:s17], [sflag:$0x1] =	stream.indirect.gather [hbm4b:s4+s20], $0x80, s11, s20, $0xb8;
	[tilespmem:$0x1C980] =	vst v63  }
0x112: {  	_ =	swait.ge [sflag:s23], $0x3E80  }
0x113: {  	[sflag:s23] =	ssyncset.done $0x0  }
0x114: {  	s11 =	rddreg [dreg:$0x7];
	[sflag:s23] =	ssyncadd.s32 $0xFFFFC180  }
0x115: {  	[spmem:s1] =	stream.indirect.scatter.add.f32 [tilespmem:s21], [sflag:$0x3], $0x80, s11, s20, $0xb8;
	[tilespmem:$0x1C980] =	vst v63  }
0x116: {  	_ =	swait.ge [sflag:s18], $0x3E80  }
0x117: {  	[sflag:s18] =	ssyncset.done $0x0  }
0x118: {  	s11 =	rddreg [dreg:$0x8];
	[sflag:s18] =	ssyncadd.s32 $0xFFFFC180  }
0x119: {  	[tilespmem:s21], [sflag:$0x2] =	stream.indirect.gather [hbm4b:s4+s20], $0x80, s11, s20, $0xb8;
	[tilespmem:$0x1C980] =	vst v63  }
0x11a: {  	_ =	swait.ge [sflag:s22], $0x3E80  }
0x11b: {  	[sflag:s22] =	ssyncset.done $0x0  }
0x11c: {  	s11 =	rddreg [dreg:$0x9];
	[sflag:s22] =	ssyncadd.s32 $0xFFFFC180  }
0x11d: {  	[spmem:s1] =	stream.indirect.scatter.add.f32 [tilespmem:s17], [sflag:$0x3], $0x80, s11, s20, $0xb8;
	[tilespmem:$0x1C980] =	vst v63  }
0x11e: {  	_ =	swait.ge [sflag:s18], $0x3E80  }
0x11f: {  	[sflag:s18] =	ssyncset.done $0x0  }
0x120: {  	s11 =	rddreg [dreg:$0xa];
	[sflag:s18] =	ssyncadd.s32 $0xFFFFC180  }
0x121: {  	[tilespmem:s17], [sflag:$0x1] =	stream.indirect.gather [hbm4b:s4+s20], $0x80, s11, s20, $0xb8;
	[tilespmem:$0x1C980] =	vst v63  }
0x122: {  	_ =	swait.ge [sflag:s23], $0x3E80  }
0x123: {  	[sflag:s23] =	ssyncset.done $0x0  }
0x124: {  	s11 =	rddreg [dreg:$0xb];
	[sflag:s23] =	ssyncadd.s32 $0xFFFFC180  }
0x125: {  	[spmem:s1] =	stream.indirect.scatter.add.f32 [tilespmem:s21], [sflag:$0x3], $0x80, s11, s20, $0xb8;
	[tilespmem:$0x1C980] =	vst v63  }
0x126: {  	_ =	swait.ge [sflag:s18], $0x3E80  }
0x127: {  	[sflag:s18] =	ssyncset.done $0x0  }
0x128: {  	s11 =	rddreg [dreg:$0xc];
	[sflag:s18] =	ssyncadd.s32 $0xFFFFC180  }
0x129: {  	[tilespmem:s21], [sflag:$0x2] =	stream.indirect.gather [hbm4b:s4+s20], $0x80, s11, s20, $0xb8;
	[tilespmem:$0x1C980] =	vst v63  }
0x12a: {  	_ =	swait.ge [sflag:s22], $0x3E80  }
0x12b: {  	[sflag:s22] =	ssyncset.done $0x0  }
0x12c: {  	s11 =	rddreg [dreg:$0xd];
	[sflag:s22] =	ssyncadd.s32 $0xFFFFC180  }
0x12d: {  	[spmem:s1] =	stream.indirect.scatter.add.f32 [tilespmem:s17], [sflag:$0x3], $0x80, s11, s20, $0xb8;
	[tilespmem:$0x1C980] =	vst v63  }
0x12e: {  	_ =	swait.ge [sflag:s18], $0x3E80  }
0x12f: {  	[sflag:s18] =	ssyncset.done $0x0  }
0x130: {  	s11 =	rddreg [dreg:$0xe];
	[sflag:s18] =	ssyncadd.s32 $0xFFFFC180  }
0x131: {  	[tilespmem:s17], [sflag:$0x1] =	stream.indirect.gather [hbm4b:s4+s20], $0x80, s11, s20, $0xb8;
	[tilespmem:$0x1C980] =	vst v63  }
0x132: {  	_ =	swait.ge [sflag:s23], $0x3E80  }
0x133: {  	[sflag:s23] =	ssyncset.done $0x0  }
0x134: {  	s11 =	rddreg [dreg:$0xf];
	[sflag:s23] =	ssyncadd.s32 $0xFFFFC180  }
0x135: {  	[spmem:s1] =	stream.indirect.scatter.add.f32 [tilespmem:s21], [sflag:$0x3], $0x80, s11, s20, $0xb8;
	[tilespmem:$0x1C980] =	vst v63  }
0x136: {  	_ =	swait.ge [sflag:s18], $0x3E80  }
0x137: {  	[sflag:s18] =	ssyncset.done $0x0  }
0x138: {  	s11 =	rddreg [dreg:$0x10];
	[sflag:s18] =	ssyncadd.s32 $0xFFFFC180  }
0x139: {  	[tilespmem:s21], [sflag:$0x2] =	stream.indirect.gather [hbm4b:s4+s20], $0x80, s11, s20, $0xb8;
	[tilespmem:$0x1C980] =	vst v63  }
0x13a: {  	_ =	swait.ge [sflag:s22], $0x3E80  }
0x13b: {  	[sflag:s22] =	ssyncset.done $0x0  }
0x13c: {  	s11 =	rddreg [dreg:$0x11];
	[sflag:s22] =	ssyncadd.s32 $0xFFFFC180  }
0x13d: {  	[spmem:s1] =	stream.indirect.scatter.add.f32 [tilespmem:s17], [sflag:$0x3], $0x80, s11, s20, $0xb8;
	[tilespmem:$0x1C980] =	vst v63  }
0x13e: {  	_ =	swait.ge [sflag:s18], $0x3E80  }
0x13f: {  	[sflag:s18] =	ssyncset.done $0x0  }
0x140: {  	s11 =	rddreg [dreg:$0x12];
	[sflag:s18] =	ssyncadd.s32 $0xFFFFC180  }
0x141: {  	[tilespmem:s17], [sflag:$0x1] =	stream.indirect.gather [hbm4b:s4+s20], $0x80, s11, s20, $0xb8;
	[tilespmem:$0x1C980] =	vst v63  }
0x142: {  	_ =	swait.ge [sflag:s23], $0x3E80  }
0x143: {  	[sflag:s23] =	ssyncset.done $0x0  }
0x144: {  	s11 =	rddreg [dreg:$0x13];
	[sflag:s23] =	ssyncadd.s32 $0xFFFFC180  }
0x145: {  	[spmem:s1] =	stream.indirect.scatter.add.f32 [tilespmem:s21], [sflag:$0x3], $0x80, s11, s20, $0xb8;
	[tilespmem:$0x1C980] =	vst v63  }
0x146: {  	_ =	swait.ge [sflag:s18], $0x3E80  }
0x147: {  	[sflag:s18] =	ssyncset.done $0x0  }
0x148: {  	s11 =	rddreg [dreg:$0x14];
	[sflag:s18] =	ssyncadd.s32 $0xFFFFC180  }
0x149: {  	[tilespmem:s21], [sflag:$0x2] =	stream.indirect.gather [hbm4b:s4+s20], $0x80, s11, s20, $0xb8;
	[tilespmem:$0x1C980] =	vst v63  }
0x14a: {  	_ =	swait.ge [sflag:s22], $0x3E80  }
0x14b: {  	[sflag:s22] =	ssyncset.done $0x0  }
0x14c: {  	s11 =	rddreg [dreg:$0x15];
	[sflag:s22] =	ssyncadd.s32 $0xFFFFC180  }
0x14d: {  	[spmem:s1] =	stream.indirect.scatter.add.f32 [tilespmem:s17], [sflag:$0x3], $0x80, s11, s20, $0xb8;
	[tilespmem:$0x1C980] =	vst v63  }
0x14e: {  	_ =	swait.ge [sflag:s18], $0x3E80  }
0x14f: {  	[sflag:s18] =	ssyncset.done $0x0  }
0x150: {  	s11 =	rddreg [dreg:$0x16];
	[sflag:s18] =	ssyncadd.s32 $0xFFFFC180  }
0x151: {  	[tilespmem:s17], [sflag:$0x1] =	stream.indirect.gather [hbm4b:s4+s20], $0x80, s11, s20, $0xb8;
	[tilespmem:$0x1C980] =	vst v63  }
0x152: {  	_ =	swait.ge [sflag:s23], $0x3E80  }
0x153: {  	[sflag:s23] =	ssyncset.done $0x0  }
0x154: {  	s11 =	rddreg [dreg:$0x17];
	[sflag:s23] =	ssyncadd.s32 $0xFFFFC180  }
0x155: {  	[spmem:s1] =	stream.indirect.scatter.add.f32 [tilespmem:s21], [sflag:$0x3], $0x80, s11, s20, $0xb8;
	[tilespmem:$0x1C980] =	vst v63  }
0x156: {  	_ =	swait.ge [sflag:s18], $0x3E80  }
0x157: {  	[sflag:s18] =	ssyncset.done $0x0  }
0x158: {  	s11 =	rddreg [dreg:$0x18];
	[sflag:s18] =	ssyncadd.s32 $0xFFFFC180  }
0x159: {  	[tilespmem:s21], [sflag:$0x2] =	stream.indirect.gather [hbm4b:s4+s20], $0x80, s11, s20, $0xb8;
	[tilespmem:$0x1C980] =	vst v63  }
0x15a: {  	_ =	swait.ge [sflag:s22], $0x3E80  }
0x15b: {  	[sflag:s22] =	ssyncset.done $0x0  }
0x15c: {  	s11 =	rddreg [dreg:$0x19];
	[sflag:s22] =	ssyncadd.s32 $0xFFFFC180  }
0x15d: {  	[spmem:s1] =	stream.indirect.scatter.add.f32 [tilespmem:s17], [sflag:$0x3], $0x80, s11, s20, $0xb8;
	[tilespmem:$0x1C980] =	vst v63  }
0x15e: {  	_ =	swait.ge [sflag:s18], $0x3E80  }
0x15f: {  	[sflag:s18] =	ssyncset.done $0x0  }
0x160: {  	[sflag:s18] =	ssyncadd.s32 $0xFFFFC180  }
0x161: {  	[tilespmem:s17], [sflag:$0x1] =	stream.indirect.gather [hbm4b:s4+s20], $0x80, s24, s20, $0xb8;
	[tilespmem:$0x1C980] =	vst v63  }
0x162: {  	_ =	swait.ge [sflag:s23], $0x3E80  }
0x163: {  	[sflag:s23] =	ssyncset.done $0x0  }
0x164: {  	[sflag:s23] =	ssyncadd.s32 $0xFFFFC180  }
0x165: {  	[spmem:s1] =	stream.indirect.scatter.add.f32 [tilespmem:s21], [sflag:$0x3], $0x80, s25, s20, $0xb8;
	[tilespmem:$0x1C980] =	vst v63  }
0x166: {  	_ =	swait.ge [sflag:s18], $0x3E80  }
0x167: {  	[sflag:s18] =	ssyncset.done $0x0  }
0x168: {  	[sflag:s18] =	ssyncadd.s32 $0xFFFFC180  }
0x169: {  	[tilespmem:s21], [sflag:$0x2] =	stream.indirect.gather [hbm4b:s4+s20], $0x80, s26, s20, $0xb8;
	[tilespmem:$0x1C980] =	vst v63  }
0x16a: {  	_ =	swait.ge [sflag:s22], $0x3E80  }
0x16b: {  	[sflag:s22] =	ssyncset.done $0x0  }
0x16c: {  	[sflag:s22] =	ssyncadd.s32 $0xFFFFC180  }
0x16d: {  	[spmem:s1] =	stream.indirect.scatter.add.f32 [tilespmem:s17], [sflag:$0x3], $0x80, s28, s20, $0xb8;
	[tilespmem:$0x1C980] =	vst v63  }
0x16e: {  	_ =	swait.ge [sflag:s18], $0x3E80  }
0x16f: {  	[sflag:s18] =	ssyncset.done $0x0  }
0x170: {  	[sflag:s18] =	ssyncadd.s32 $0xFFFFC180  }
0x171: {  	[tilespmem:s17], [sflag:$0x1] =	stream.indirect.gather [hbm4b:s4+s20], $0x80, s29, s20, $0xb8;
	[tilespmem:$0x1C980] =	vst v63  }
0x172: {  	_ =	swait.ge [sflag:s23], $0x3E80  }
0x173: {  	[sflag:s23] =	ssyncset.done $0x0  }
0x174: {  	[sflag:s23] =	ssyncadd.s32 $0xFFFFC180  }
0x175: {  	[spmem:s1] =	stream.indirect.scatter.add.f32 [tilespmem:s21], [sflag:$0x3], $0x80, s30, s20, $0xb8;
	[tilespmem:$0x1C980] =	vst v63  }
0x176: {  	_ =	swait.ge [sflag:s18], $0x3E80  }
0x177: {  	[sflag:s18] =	ssyncset.done $0x0  }
0x178: {  	[sflag:s18] =	ssyncadd.s32 $0xFFFFC180  }
0x179: {  	[tilespmem:s21], [sflag:$0x2] =	stream.indirect.gather [hbm4b:s4+s20], $0x80, s31, s20, $0xb8;
	[tilespmem:$0x1C980] =	vst v63  }
0x17a: {  	_ =	swait.ge [sflag:s22], $0x3E80  }
0x17b: {  	[sflag:s22] =	ssyncset.done $0x0  }
0x17c: {  	[sflag:s22] =	ssyncadd.s32 $0xFFFFC180  }
0x17d: {  	[spmem:s1] =	stream.indirect.scatter.add.f32 [tilespmem:s17], [sflag:$0x3], $0x80, s0, s20, $0xb8;
	[tilespmem:$0x1C980] =	vst v63  }
0x17e: {  	_ =	swait.ge [sflag:s18], $0x3E80  }
0x17f: {  	[sflag:s18] =	ssyncset.done $0x0  }
0x180: {  	[sflag:s18] =	ssyncadd.s32 $0xFFFFC180  }
0x181: {  	[tilespmem:s17], [sflag:$0x1] =	stream.indirect.gather [hbm4b:s4+s20], $0x80, s3, s20, $0xb8;
	[tilespmem:$0x1C980] =	vst v63  }
0x182: {  	_ =	swait.ge [sflag:s23], $0x3E80  }
0x183: {  	[sflag:s23] =	ssyncset.done $0x0  }
0x184: {  	[sflag:s23] =	ssyncadd.s32 $0xFFFFC180  }
0x185: {  	[spmem:s1] =	stream.indirect.scatter.add.f32 [tilespmem:s21], [sflag:$0x3], $0x80, s5, s20, $0xb8;
	[tilespmem:$0x1C980] =	vst v63  }
0x186: {  	_ =	swait.ge [sflag:s18], $0x3E80  }
0x187: {  	[sflag:s18] =	ssyncset.done $0x0  }
0x188: {  	[sflag:s18] =	ssyncadd.s32 $0xFFFFC180  }
0x189: {  	[tilespmem:s21], [sflag:$0x2] =	stream.indirect.gather [hbm4b:s4+s20], $0x80, s6, s20, $0xb8;
	[tilespmem:$0x1C980] =	vst v63  }
0x18a: {  	_ =	swait.ge [sflag:s22], $0x3E80  }
0x18b: {  	[sflag:s22] =	ssyncset.done $0x0  }
0x18c: {  	[sflag:s22] =	ssyncadd.s32 $0xFFFFC180  }
0x18d: {  	[spmem:s1] =	stream.indirect.scatter.add.f32 [tilespmem:s17], [sflag:$0x3], $0x80, s7, s20, $0xb8;
	[tilespmem:$0x1C980] =	vst v63  }
0x18e: {  	_ =	swait.ge [sflag:s18], $0x3E80  }
0x18f: {  	[sflag:s18] =	ssyncset.done $0x0  }
0x190: {  	[sflag:s18] =	ssyncadd.s32 $0xFFFFC180  }
0x191: {  	[tilespmem:s17], [sflag:$0x1] =	stream.indirect.gather [hbm4b:s4+s20], $0x80, s12, s20, $0xb8;
	[tilespmem:$0x1C980] =	vst v63  }
0x192: {  	_ =	swait.ge [sflag:s23], $0x3E80  }
0x193: {  	[sflag:s23] =	ssyncset.done $0x0  }
0x194: {  	[sflag:s23] =	ssyncadd.s32 $0xFFFFC180  }
0x195: {  	[spmem:s1] =	stream.indirect.scatter.add.f32 [tilespmem:s21], [sflag:$0x3], $0x80, s13, s20, $0xb8;
	[tilespmem:$0x1C980] =	vst v63  }
0x196: {  	_ =	swait.ge [sflag:s18], $0x3E80  }
0x197: {  	[sflag:s18] =	ssyncset.done $0x0  }
0x198: {  	[sflag:s18] =	ssyncadd.s32 $0xFFFFC180  }
0x199: {  	[tilespmem:s21], [sflag:$0x2] =	stream.indirect.gather [hbm4b:s4+s20], $0x80, s14, s20, $0xb8;
	[tilespmem:$0x1C980] =	vst v63  }
0x19a: {  	_ =	swait.ge [sflag:s22], $0x3E80  }
0x19b: {  	[sflag:s22] =	ssyncset.done $0x0  }
0x19c: {  	[sflag:s22] =	ssyncadd.s32 $0xFFFFC180  }
0x19d: {  	[spmem:s1] =	stream.indirect.scatter.add.f32 [tilespmem:s17], [sflag:$0x3], $0x80, s15, s20, $0xb8;
	[tilespmem:$0x1C980] =	vst v63  }
0x19e: {  	_ =	swait.ge [sflag:s18], $0x3E80  }
0x19f: {  	[sflag:s18] =	ssyncset.done $0x0  }
0x1a0: {  	[sflag:s18] =	ssyncadd.s32 $0xFFFFC180  }
0x1a1: {  	p0 =	sne.s32 s10, $0x8C0;
	_ =	swait.ge [sflag:s23], $0x3E80  }
.Ltmp1:
0x1a2: {  	[sflag:s23] =	ssyncset.done $0x0;
	(pc) =	sbr.rel @p0 .LBB2_4-.Ltmp1, $4  }
0x1a3: {  	[sflag:s23] =	ssyncadd.s32 $0xFFFFC180  }
0x1a4: {  	[spmem:s1] =	stream.indirect.scatter.add.f32 [tilespmem:s21], [sflag:$0x3], $0x80, s16, s20, $0xb8;
	[tilespmem:$0x1C980] =	vst v63  }
0x1a5: {  	s8 =	smov.u32 s10;
	s10 =	sadd.s32 $0x140, s10;
	_ =	swait.ge [sflag:s18], $0x3E80  }
0x1a6: {  	s9 =	smov.u32 s8;
	s11 =	rddreg [dreg:$0x4];
	[sflag:s18] =	ssyncset.done $0x0  }
0x1a7: {  	[sflag:s18] =	ssyncadd.s32 $0xFFFFC180;
	s8 =	sadd.s32 s9, s11  }
0x1a8: {  	[tilespmem:s2], [sflag:$0x3] =	stream.linear.gather [hbm4b:s8+s2], $0xA00, $0x38;
	[tilespmem:$0x1C980] =	vst v63  }
0x1a9: {  	_ =	swait.ge [sflag:s18], $0xA00  }
0x1aa: {  	s11 =	rddreg [dreg:$0x3];
	[sflag:s18] =	ssyncset.done $0x0  }
0x1ab: {  	s8 =	sadd.s32 s9, s11;
	[sflag:s18] =	ssyncadd.s32 $0xFFFFF600  }
0x1ac: {  	[tilespmem:s19], [sflag:$0x3] =	stream.linear.gather [hbm4b:s8+s2], $0xA00, $0x38;
	[tilespmem:$0x1C980] =	vst v63  }
0x1ad: {  	_ =	swait.ge [sflag:s18], $0xA00  }
0x1ae: {  	[sflag:s18] =	ssyncset.done $0x0  }
0x1af: {  	[sflag:s18] =	ssyncadd.s32 $0xFFFFF600  }
0x1b0: {  	[tilespmem:s17], [sflag:$0x1] =	stream.indirect.gather [hbm4b:s4+s20], $0x80, s2, s20, $0xb8;
	[tilespmem:$0x1C980] =	vst v63  }
0x1b1: {  	s9 =	rddreg [dreg:$0x5]  }
0x1b2: {  	[tilespmem:s21], [sflag:$0x2] =	stream.indirect.gather [hbm4b:s4+s20], $0x80, s9, s20, $0xb8;
	[tilespmem:$0x1C980] =	vst v63  }
0x1b3: {  	_ =	swait.ge [sflag:s22], $0x3E80  }
0x1b4: {  	[sflag:s22] =	ssyncset.done $0x0  }
0x1b5: {  	[sflag:s22] =	ssyncadd.s32 $0xFFFFC180  }
0x1b6: {  	[spmem:s1] =	stream.indirect.scatter.add.f32 [tilespmem:s17], [sflag:$0x3], $0x80, s19, s20, $0xb8;
	[tilespmem:$0x1C980] =	vst v63  }
0x1b7: {  	_ =	swait.ge [sflag:s18], $0x3E80  }
0x1b8: {  	[sflag:s18] =	ssyncset.done $0x0  }
0x1b9: {  	s10 =	rddreg [dreg:$0x6];
	[sflag:s18] =	ssyncadd.s32 $0xFFFFC180  }
0x1ba: {  	[tilespmem:s17], [sflag:$0x1] =	stream.indirect.gather [hbm4b:s4+s20], $0x80, s10, s20, $0xb8;
	[tilespmem:$0x1C980] =	vst v63  }
0x1bb: {  	_ =	swait.ge [sflag:s23], $0x3E80  }
0x1bc: {  	[sflag:s23] =	ssyncset.done $0x0  }
0x1bd: {  	s11 =	rddreg [dreg:$0x7];
	[sflag:s23] =	ssyncadd.s32 $0xFFFFC180  }
0x1be: {  	[spmem:s1] =	stream.indirect.scatter.add.f32 [tilespmem:s21], [sflag:$0x3], $0x80, s11, s20, $0xb8;
	[tilespmem:$0x1C980] =	vst v63  }
0x1bf: {  	_ =	swait.ge [sflag:s18], $0x3E80  }
0x1c0: {  	[sflag:s18] =	ssyncset.done $0x0  }
0x1c1: {  	s9 =	rddreg [dreg:$0x8];
	[sflag:s18] =	ssyncadd.s32 $0xFFFFC180  }
0x1c2: {  	[tilespmem:s21], [sflag:$0x2] =	stream.indirect.gather [hbm4b:s4+s20], $0x80, s9, s20, $0xb8;
	[tilespmem:$0x1C980] =	vst v63  }
0x1c3: {  	_ =	swait.ge [sflag:s22], $0x3E80  }
0x1c4: {  	[sflag:s22] =	ssyncset.done $0x0  }
0x1c5: {  	s10 =	rddreg [dreg:$0x9];
	[sflag:s22] =	ssyncadd.s32 $0xFFFFC180  }
0x1c6: {  	[spmem:s1] =	stream.indirect.scatter.add.f32 [tilespmem:s17], [sflag:$0x3], $0x80, s10, s20, $0xb8;
	[tilespmem:$0x1C980] =	vst v63  }
0x1c7: {  	_ =	swait.ge [sflag:s18], $0x3E80  }
0x1c8: {  	[sflag:s18] =	ssyncset.done $0x0  }
0x1c9: {  	s11 =	rddreg [dreg:$0xa];
	[sflag:s18] =	ssyncadd.s32 $0xFFFFC180  }
0x1ca: {  	[tilespmem:s17], [sflag:$0x1] =	stream.indirect.gather [hbm4b:s4+s20], $0x80, s11, s20, $0xb8;
	[tilespmem:$0x1C980] =	vst v63  }
0x1cb: {  	_ =	swait.ge [sflag:s23], $0x3E80  }
0x1cc: {  	[sflag:s23] =	ssyncset.done $0x0  }
0x1cd: {  	s9 =	rddreg [dreg:$0xb];
	[sflag:s23] =	ssyncadd.s32 $0xFFFFC180  }
0x1ce: {  	[spmem:s1] =	stream.indirect.scatter.add.f32 [tilespmem:s21], [sflag:$0x3], $0x80, s9, s20, $0xb8;
	[tilespmem:$0x1C980] =	vst v63  }
0x1cf: {  	_ =	swait.ge [sflag:s18], $0x3E80  }
0x1d0: {  	[sflag:s18] =	ssyncset.done $0x0  }
0x1d1: {  	s10 =	rddreg [dreg:$0xc];
	[sflag:s18] =	ssyncadd.s32 $0xFFFFC180  }
0x1d2: {  	[tilespmem:s21], [sflag:$0x2] =	stream.indirect.gather [hbm4b:s4+s20], $0x80, s10, s20, $0xb8;
	[tilespmem:$0x1C980] =	vst v63  }
0x1d3: {  	_ =	swait.ge [sflag:s22], $0x3E80  }
0x1d4: {  	[sflag:s22] =	ssyncset.done $0x0  }
0x1d5: {  	s11 =	rddreg [dreg:$0xd];
	[sflag:s22] =	ssyncadd.s32 $0xFFFFC180  }
0x1d6: {  	[spmem:s1] =	stream.indirect.scatter.add.f32 [tilespmem:s17], [sflag:$0x3], $0x80, s11, s20, $0xb8;
	[tilespmem:$0x1C980] =	vst v63  }
0x1d7: {  	_ =	swait.ge [sflag:s18], $0x3E80  }
0x1d8: {  	[sflag:s18] =	ssyncset.done $0x0  }
0x1d9: {  	s9 =	rddreg [dreg:$0xe];
	[sflag:s18] =	ssyncadd.s32 $0xFFFFC180  }
0x1da: {  	[tilespmem:s17], [sflag:$0x1] =	stream.indirect.gather [hbm4b:s4+s20], $0x80, s9, s20, $0xb8;
	[tilespmem:$0x1C980] =	vst v63  }
0x1db: {  	_ =	swait.ge [sflag:s23], $0x3E80  }
0x1dc: {  	[sflag:s23] =	ssyncset.done $0x0  }
0x1dd: {  	s10 =	rddreg [dreg:$0xf];
	[sflag:s23] =	ssyncadd.s32 $0xFFFFC180  }
0x1de: {  	[spmem:s1] =	stream.indirect.scatter.add.f32 [tilespmem:s21], [sflag:$0x3], $0x80, s10, s20, $0xb8;
	[tilespmem:$0x1C980] =	vst v63  }
0x1df: {  	_ =	swait.ge [sflag:s18], $0x3E80  }
0x1e0: {  	[sflag:s18] =	ssyncset.done $0x0  }
0x1e1: {  	s11 =	rddreg [dreg:$0x10];
	[sflag:s18] =	ssyncadd.s32 $0xFFFFC180  }
0x1e2: {  	[tilespmem:s21], [sflag:$0x2] =	stream.indirect.gather [hbm4b:s4+s20], $0x80, s11, s20, $0xb8;
	[tilespmem:$0x1C980] =	vst v63  }
0x1e3: {  	_ =	swait.ge [sflag:s22], $0x3E80  }
0x1e4: {  	[sflag:s22] =	ssyncset.done $0x0  }
0x1e5: {  	s9 =	rddreg [dreg:$0x11];
	[sflag:s22] =	ssyncadd.s32 $0xFFFFC180  }
0x1e6: {  	[spmem:s1] =	stream.indirect.scatter.add.f32 [tilespmem:s17], [sflag:$0x3], $0x80, s9, s20, $0xb8;
	[tilespmem:$0x1C980] =	vst v63  }
0x1e7: {  	_ =	swait.ge [sflag:s18], $0x3E80  }
0x1e8: {  	[sflag:s18] =	ssyncset.done $0x0  }
0x1e9: {  	s10 =	rddreg [dreg:$0x12];
	[sflag:s18] =	ssyncadd.s32 $0xFFFFC180  }
0x1ea: {  	[tilespmem:s17], [sflag:$0x1] =	stream.indirect.gather [hbm4b:s4+s20], $0x80, s10, s20, $0xb8;
	[tilespmem:$0x1C980] =	vst v63  }
0x1eb: {  	_ =	swait.ge [sflag:s23], $0x3E80  }
0x1ec: {  	[sflag:s23] =	ssyncset.done $0x0  }
0x1ed: {  	s11 =	rddreg [dreg:$0x13];
	[sflag:s23] =	ssyncadd.s32 $0xFFFFC180  }
0x1ee: {  	[spmem:s1] =	stream.indirect.scatter.add.f32 [tilespmem:s21], [sflag:$0x3], $0x80, s11, s20, $0xb8;
	[tilespmem:$0x1C980] =	vst v63  }
0x1ef: {  	_ =	swait.ge [sflag:s18], $0x3E80  }
0x1f0: {  	[sflag:s18] =	ssyncset.done $0x0  }
0x1f1: {  	s9 =	rddreg [dreg:$0x14];
	[sflag:s18] =	ssyncadd.s32 $0xFFFFC180  }
0x1f2: {  	[tilespmem:s21], [sflag:$0x2] =	stream.indirect.gather [hbm4b:s4+s20], $0x80, s9, s20, $0xb8;
	[tilespmem:$0x1C980] =	vst v63  }
0x1f3: {  	_ =	swait.ge [sflag:s22], $0x3E80  }
0x1f4: {  	[sflag:s22] =	ssyncset.done $0x0  }
0x1f5: {  	s10 =	rddreg [dreg:$0x15];
	[sflag:s22] =	ssyncadd.s32 $0xFFFFC180  }
0x1f6: {  	[spmem:s1] =	stream.indirect.scatter.add.f32 [tilespmem:s17], [sflag:$0x3], $0x80, s10, s20, $0xb8;
	[tilespmem:$0x1C980] =	vst v63  }
0x1f7: {  	_ =	swait.ge [sflag:s18], $0x3E80  }
0x1f8: {  	[sflag:s18] =	ssyncset.done $0x0  }
0x1f9: {  	s11 =	rddreg [dreg:$0x16];
	[sflag:s18] =	ssyncadd.s32 $0xFFFFC180  }
0x1fa: {  	[tilespmem:s17], [sflag:$0x1] =	stream.indirect.gather [hbm4b:s4+s20], $0x80, s11, s20, $0xb8;
	[tilespmem:$0x1C980] =	vst v63  }
0x1fb: {  	_ =	swait.ge [sflag:s23], $0x3E80  }
0x1fc: {  	[sflag:s23] =	ssyncset.done $0x0  }
0x1fd: {  	s9 =	rddreg [dreg:$0x17];
	[sflag:s23] =	ssyncadd.s32 $0xFFFFC180  }
0x1fe: {  	[spmem:s1] =	stream.indirect.scatter.add.f32 [tilespmem:s21], [sflag:$0x3], $0x80, s9, s20, $0xb8;
	[tilespmem:$0x1C980] =	vst v63  }
0x1ff: {  	_ =	swait.ge [sflag:s18], $0x3E80  }
0x200: {  	[sflag:s18] =	ssyncset.done $0x0  }
0x201: {  	s10 =	rddreg [dreg:$0x18];
	[sflag:s18] =	ssyncadd.s32 $0xFFFFC180  }
0x202: {  	[tilespmem:s21], [sflag:$0x2] =	stream.indirect.gather [hbm4b:s4+s20], $0x80, s10, s20, $0xb8;
	[tilespmem:$0x1C980] =	vst v63  }
0x203: {  	_ =	swait.ge [sflag:s22], $0x3E80  }
0x204: {  	[sflag:s22] =	ssyncset.done $0x0  }
0x205: {  	s11 =	rddreg [dreg:$0x19];
	[sflag:s22] =	ssyncadd.s32 $0xFFFFC180  }
0x206: {  	[spmem:s1] =	stream.indirect.scatter.add.f32 [tilespmem:s17], [sflag:$0x3], $0x80, s11, s20, $0xb8;
	[tilespmem:$0x1C980] =	vst v63  }
0x207: {  	_ =	swait.ge [sflag:s18], $0x3E80  }
0x208: {  	[sflag:s18] =	ssyncset.done $0x0  }
0x209: {  	[sflag:s18] =	ssyncadd.s32 $0xFFFFC180  }
0x20a: {  	[tilespmem:s17], [sflag:$0x1] =	stream.indirect.gather [hbm4b:s4+s20], $0x80, s24, s20, $0xb8;
	[tilespmem:$0x1C980] =	vst v63  }
0x20b: {  	_ =	swait.ge [sflag:s23], $0x3E80  }
0x20c: {  	[sflag:s23] =	ssyncset.done $0x0  }
0x20d: {  	[sflag:s23] =	ssyncadd.s32 $0xFFFFC180  }
0x20e: {  	[spmem:s1] =	stream.indirect.scatter.add.f32 [tilespmem:s21], [sflag:$0x3], $0x80, s25, s20, $0xb8;
	[tilespmem:$0x1C980] =	vst v63  }
0x20f: {  	_ =	swait.ge [sflag:s18], $0x3E80  }
0x210: {  	[sflag:s18] =	ssyncset.done $0x0  }
0x211: {  	[sflag:s18] =	ssyncadd.s32 $0xFFFFC180  }
0x212: {  	[tilespmem:s21], [sflag:$0x2] =	stream.indirect.gather [hbm4b:s4+s20], $0x80, s26, s20, $0xb8;
	[tilespmem:$0x1C980] =	vst v63  }
0x213: {  	_ =	swait.ge [sflag:s22], $0x3E80  }
0x214: {  	[sflag:s22] =	ssyncset.done $0x0  }
0x215: {  	[sflag:s22] =	ssyncadd.s32 $0xFFFFC180  }
0x216: {  	[spmem:s1] =	stream.indirect.scatter.add.f32 [tilespmem:s17], [sflag:$0x3], $0x80, s28, s20, $0xb8;
	[tilespmem:$0x1C980] =	vst v63  }
0x217: {  	_ =	swait.ge [sflag:s18], $0x3E80  }
0x218: {  	[sflag:s18] =	ssyncset.done $0x0  }
0x219: {  	[sflag:s18] =	ssyncadd.s32 $0xFFFFC180  }
0x21a: {  	[tilespmem:s17], [sflag:$0x1] =	stream.indirect.gather [hbm4b:s4+s20], $0x80, s29, s20, $0xb8;
	[tilespmem:$0x1C980] =	vst v63  }
0x21b: {  	_ =	swait.ge [sflag:s23], $0x3E80  }
0x21c: {  	[sflag:s23] =	ssyncset.done $0x0  }
0x21d: {  	[sflag:s23] =	ssyncadd.s32 $0xFFFFC180  }
0x21e: {  	[spmem:s1] =	stream.indirect.scatter.add.f32 [tilespmem:s21], [sflag:$0x3], $0x80, s30, s20, $0xb8;
	[tilespmem:$0x1C980] =	vst v63  }
0x21f: {  	_ =	swait.ge [sflag:s18], $0x3E80  }
0x220: {  	[sflag:s18] =	ssyncset.done $0x0  }
0x221: {  	[sflag:s18] =	ssyncadd.s32 $0xFFFFC180  }
0x222: {  	[tilespmem:s21], [sflag:$0x2] =	stream.indirect.gather [hbm4b:s4+s20], $0x80, s31, s20, $0xb8;
	[tilespmem:$0x1C980] =	vst v63  }
0x223: {  	_ =	swait.ge [sflag:s22], $0x3E80  }
0x224: {  	[sflag:s22] =	ssyncset.done $0x0  }
0x225: {  	[sflag:s22] =	ssyncadd.s32 $0xFFFFC180  }
0x226: {  	[spmem:s1] =	stream.indirect.scatter.add.f32 [tilespmem:s17], [sflag:$0x3], $0x80, s0, s20, $0xb8;
	[tilespmem:$0x1C980] =	vst v63  }
0x227: {  	_ =	swait.ge [sflag:s18], $0x3E80  }
0x228: {  	[sflag:s18] =	ssyncset.done $0x0  }
0x229: {  	[sflag:s18] =	ssyncadd.s32 $0xFFFFC180  }
0x22a: {  	[tilespmem:s17], [sflag:$0x1] =	stream.indirect.gather [hbm4b:s4+s20], $0x80, s3, s20, $0xb8;
	[tilespmem:$0x1C980] =	vst v63  }
0x22b: {  	_ =	swait.ge [sflag:s23], $0x3E80  }
0x22c: {  	[sflag:s23] =	ssyncset.done $0x0  }
0x22d: {  	[sflag:s23] =	ssyncadd.s32 $0xFFFFC180  }
0x22e: {  	[spmem:s1] =	stream.indirect.scatter.add.f32 [tilespmem:s21], [sflag:$0x3], $0x80, s5, s20, $0xb8;
	[tilespmem:$0x1C980] =	vst v63  }
0x22f: {  	_ =	swait.ge [sflag:s18], $0x3E80  }
0x230: {  	[sflag:s18] =	ssyncset.done $0x0  }
0x231: {  	[sflag:s18] =	ssyncadd.s32 $0xFFFFC180  }
0x232: {  	[tilespmem:s21], [sflag:$0x2] =	stream.indirect.gather [hbm4b:s4+s20], $0x80, s6, s20, $0xb8;
	[tilespmem:$0x1C980] =	vst v63  }
0x233: {  	_ =	swait.ge [sflag:s22], $0x3E80  }
0x234: {  	[sflag:s22] =	ssyncset.done $0x0  }
0x235: {  	[sflag:s22] =	ssyncadd.s32 $0xFFFFC180  }
0x236: {  	[spmem:s1] =	stream.indirect.scatter.add.f32 [tilespmem:s17], [sflag:$0x3], $0x80, s7, s20, $0xb8;
	[tilespmem:$0x1C980] =	vst v63  }
0x237: {  	_ =	swait.ge [sflag:s18], $0x3E80  }
0x238: {  	[sflag:s18] =	ssyncset.done $0x0  }
0x239: {  	[sflag:s18] =	ssyncadd.s32 $0xFFFFC180  }
0x23a: {  	[tilespmem:s17], [sflag:$0x1] =	stream.indirect.gather [hbm4b:s4+s20], $0x80, s12, s20, $0xb8;
	[tilespmem:$0x1C980] =	vst v63  }
0x23b: {  	_ =	swait.ge [sflag:s23], $0x3E80  }
0x23c: {  	[sflag:s23] =	ssyncset.done $0x0  }
0x23d: {  	[sflag:s23] =	ssyncadd.s32 $0xFFFFC180  }
0x23e: {  	[spmem:s1] =	stream.indirect.scatter.add.f32 [tilespmem:s21], [sflag:$0x3], $0x80, s13, s20, $0xb8;
	[tilespmem:$0x1C980] =	vst v63  }
0x23f: {  	_ =	swait.ge [sflag:s18], $0x3E80  }
0x240: {  	[sflag:s18] =	ssyncset.done $0x0  }
0x241: {  	[sflag:s18] =	ssyncadd.s32 $0xFFFFC180  }
0x242: {  	[tilespmem:s21], [sflag:$0x2] =	stream.indirect.gather [hbm4b:s4+s20], $0x80, s14, s20, $0xb8;
	[tilespmem:$0x1C980] =	vst v63  }
0x243: {  	_ =	swait.ge [sflag:s22], $0x3E80  }
0x244: {  	[sflag:s22] =	ssyncset.done $0x0  }
0x245: {  	[sflag:s22] =	ssyncadd.s32 $0xFFFFC180  }
0x246: {  	[spmem:s1] =	stream.indirect.scatter.add.f32 [tilespmem:s17], [sflag:$0x3], $0x80, s15, s20, $0xb8;
	[tilespmem:$0x1C980] =	vst v63  }
0x247: {  	_ =	swait.ge [sflag:s18], $0x3E80  }
0x248: {  	[sflag:s18] =	ssyncset.done $0x0  }
0x249: {  	[sflag:s18] =	ssyncadd.s32 $0xFFFFC180  }
0x24a: {  	_ =	swait.ge [sflag:s23], $0x3E80  }
0x24b: {  	[sflag:s23] =	ssyncset.done $0x0  }
0x24c: {  	[sflag:s23] =	ssyncadd.s32 $0xFFFFC180  }
0x24d: {  	[spmem:s1] =	stream.indirect.scatter.add.f32 [tilespmem:s21], [sflag:$0x3], $0x80, s16, s20, $0xb8;
	[tilespmem:$0x1C980] =	vst v63  }
0x24e: {  	_ =	swait.ge [sflag:s18], $0x3E80  }
0x24f: {  	[sflag:s18] =	ssyncset.done $0x0  }
0x250: {  	[sflag:s18] =	ssyncadd.s32 $0xFFFFC180  }
0x251: {  	[bflag:$0x0] =	sbarrier.arrive $0xFFFF  }
0x252: {  	s9 =	rddreg [dreg:$0x1a]  }
0x253: {  	[tilespmem:s17], [sflag:$0x3] =	stream.linear.gather [spmem:s9], $0x3E80, $0x38;
	[tilespmem:$0x1C980] =	vst v63  }
0x254: {  	_ =	swait.ge [sflag:s18], $0x3E80  }
0x255: {  	s10 =	sld [smem:$0x7F9]  }
0x256: {  	[sflag:s18] =	ssyncset.done $0x0  }
0x257: {  	[sflag:s18] =	ssyncadd.s32 $0xFFFFC180  }
0x258: {  	[hbm4b:s10+s2] =	stream.linear.scatter [tilespmem:s17], [sflag:$0x3], $0x3E80, $0x38;
	[tilespmem:$0x1C980] =	vst v63  }
0x259: {  	_ =	swait.ge [sflag:s18], $0x3E80  }
0x25a: {  	[sflag:s18] =	ssyncset.done $0x0  }
0x25b: {  	s11 =	rddreg [dreg:$0x1d];
	[sflag:s18] =	ssyncadd.s32 $0xFFFFC180  }
0x25c: {  	[tilespmem:s17], [sflag:$0x3] =	stream.linear.gather [spmem:s11], $0x3E80, $0x38;
	[tilespmem:$0x1C980] =	vst v63  }
0x25d: {  	_ =	swait.ge [sflag:s18], $0x3E80  }
0x25e: {  	s9 =	sld [smem:$0x7FA]  }
0x25f: {  	[sflag:s18] =	ssyncset.done $0x0  }
0x260: {  	[sflag:s18] =	ssyncadd.s32 $0xFFFFC180  }
0x261: {  	[hbm4b:s9+s2] =	stream.linear.scatter [tilespmem:s17], [sflag:$0x3], $0x3E80, $0x38;
	[tilespmem:$0x1C980] =	vst v63  }
0x262: {  	_ =	swait.ge [sflag:s18], $0x3E80  }
0x263: {  	[sflag:s18] =	ssyncset.done $0x0  }
0x264: {  	s10 =	rddreg [dreg:$0x1e];
	[sflag:s18] =	ssyncadd.s32 $0xFFFFC180  }
0x265: {  	[tilespmem:s17], [sflag:$0x3] =	stream.linear.gather [spmem:s10], $0x3E80, $0x38;
	[tilespmem:$0x1C980] =	vst v63  }
0x266: {  	_ =	swait.ge [sflag:s18], $0x3E80  }
0x267: {  	s11 =	sld [smem:$0x7FB]  }
0x268: {  	[sflag:s18] =	ssyncset.done $0x0  }
0x269: {  	[sflag:s18] =	ssyncadd.s32 $0xFFFFC180  }
0x26a: {  	[hbm4b:s11+s2] =	stream.linear.scatter [tilespmem:s17], [sflag:$0x3], $0x3E80, $0x38;
	[tilespmem:$0x1C980] =	vst v63  }
0x26b: {  	_ =	swait.ge [sflag:s18], $0x3E80  }
0x26c: {  	[sflag:s18] =	ssyncset.done $0x0  }
0x26d: {  	s9 =	rddreg [dreg:$0x1f];
	[sflag:s18] =	ssyncadd.s32 $0xFFFFC180  }
0x26e: {  	[tilespmem:s17], [sflag:$0x3] =	stream.linear.gather [spmem:s9], $0x3E80, $0x38;
	[tilespmem:$0x1C980] =	vst v63  }
0x26f: {  	_ =	swait.ge [sflag:s18], $0x3E80  }
0x270: {  	s10 =	sld [smem:$0x7FC]  }
0x271: {  	[sflag:s18] =	ssyncset.done $0x0  }
0x272: {  	[sflag:s18] =	ssyncadd.s32 $0xFFFFC180  }
0x273: {  	[hbm4b:s10+s2] =	stream.linear.scatter [tilespmem:s17], [sflag:$0x3], $0x3E80, $0x38;
	[tilespmem:$0x1C980] =	vst v63  }
0x274: {  	_ =	swait.ge [sflag:s18], $0x3E80  }
0x275: {  	s11 =	sld [smem:$0x7F8]  }
0x276: {  	[sflag:s18] =	ssyncset.done $0x0  }
0x277: {  	[sflag:s18] =	ssyncadd.s32 $0xFFFFC180  }
0x278: {  	[tilespmem:s17], [sflag:$0x3] =	stream.linear.gather [spmem:s11], $0x3E80, $0x38;
	[tilespmem:$0x1C980] =	vst v63  }
0x279: {  	_ =	swait.ge [sflag:s18], $0x3E80  }
0x27a: {  	s9 =	sld [smem:$0x7FD]  }
0x27b: {  	[sflag:s18] =	ssyncset.done $0x0  }
0x27c: {  	[sflag:s18] =	ssyncadd.s32 $0xFFFFC180  }
0x27d: {  	[hbm4b:s9+s2] =	stream.linear.scatter [tilespmem:s17], [sflag:$0x3], $0x3E80, $0x38;
	[tilespmem:$0x1C980] =	vst v63  }
0x27e: {  	_ =	swait.ge [sflag:s18], $0x3E80  }
0x27f: {  	s10 =	sld [smem:$0x7F7];
	_ =	sdelay $0x2  }
0x280: {  	s11 =	rddreg [dreg:$0x1b];
	s9 =	sadd.s32 $0x1, s10  }
0x281: {  	p0 =	sne.s32 s9, s11  }
.Ltmp2:
0x282: {  	_ = 	snop;
	(pc) =	sbr.rel @p0 .LBB2_1-.Ltmp2, $3  }
0x283: {  	_ =	sdelay $0x1  }
0x284: {  	[sflag:s18] =	ssyncset.done $0x0  }
0x285: {  	[sflag:s18] =	ssyncadd.s32 $0xFFFFC180  }
0x286: {  	_ =	sfence.sel $0x180000  }
0x287: {  	[bflag:$0x0] =	sbarrier.arrive $0xFFFF  }
0x288: {  	_ =	strace $0x9000004A  }
0x289: {  	s0 =	stileid.u32;
	[bflag:$0x2] =	sbarrier.arrive $0xFFFF  }
0x28a: {  	p0 =	sne.s32 s0, $0x0;
	s0 =	rddreg [dreg:$0x2]  }
0x28b: {  	s0 =	sadd.s32 @!p0 $0x100000, s0  }
0x28c: {  	[sflag:s0] =	ssyncadd.tile.s32 @!p0 $0x1;
	_ =	shalt  }
.Lfunc_end2:
_tile_overlayer_lowered:
.L_overlay_start_2:
0x28d: {  	(tag) =	ssettag $0x2  }
0x28e: {  	s0 =	rddreg [dreg:$0x0];
	s2 =	stileid.u32  }
0x28f: {  	s1 =	rddreg [dreg:$0x1];
	p0 =	sne.s32 s2, $0x0  }
0x290: {  	s3 =	rddreg [dreg:$0x2];
	[bflag:$0x3] =	sbarrier.arrive $0xFFFF;
	s2 =	simm.s32 @!p0 $0x1C03  }
0x291: {  	[timem:s3], [sflag:s2] =	dma.local @!p0 [hbm:s0], s1  }
0x292: {  	s0 =	simm.s32 @!p0 $0x3  }
0x293: {  	_ =	swait.ge @!p0 [sflag:s0], s1  }
0x294: {  	s1 =	ssub.s32 @!p0 $0x0, s1;
	[sflag:s0] =	ssyncset.done @!p0 $0x0  }
0x295: {  	[sflag:s0] =	ssyncadd.s32 @!p0 s1  }
0x296: {  	[bflag:$0x3] =	sbarrier.arrive $0xFFFF  }
0x297: {  	_ =	shalt  }

</sc_bundles>
